<compile_context>
chip_gen: v7x
topology: tpu7x:2x2x1
jax: 0.10.2.dev20260603
libtpu: 0.0.44.dev20260713+nightly
codegen_flags: <defaults>
</compile_context>

<pallas_src>
import functools

import jax
import jax.numpy as jnp
from jax import lax
from jax.experimental import pallas as pl
from jax.experimental.pallas import tpu as pltpu
from jax.experimental.pallas import tpu_sc as plsc

N = 10000
E = 320000
F = 128
H = 128
L = 64
G = 64

NC = 2
NS = 16
NW = NC * NS
CH = 128
ROWS_PER_TILE = 640
NPAD = NS * ROWS_PER_TILE
CHUNKS = -(-E // (NW * CH)) + (-(-E // (NW * CH)) % 2)
EPAD = NW * CH * CHUNKS
PER_W = CHUNKS * CH
IBLK = 4
NIB = CHUNKS // IBLK
CH2 = 2 * CH
NCH2 = CHUNKS // 2
IB2 = 4
NIB2 = NCH2 // IB2
NBLK = 16

_mesh = plsc.VectorSubcoreMesh(core_axis_name="c", subcore_axis_name="s")


@functools.partial(
    pl.kernel,
    out_type=jax.ShapeDtypeStruct((NC, NPAD, H), jnp.float32),
    mesh=_mesh,
    scratch_types=[
        pltpu.VMEM_SHARED((NPAD, H), jnp.float32),
        pltpu.VMEM((CHUNKS, CH), jnp.int32),
        pltpu.VMEM((CH, H), jnp.float32),
    ],
)
def _sc_degree(dst3, zerosH, onesH, dp, acc, idx_v, ones_v):
    cid = lax.axis_index("c")
    sid = lax.axis_index("s")
    wid = sid * NC + cid
    row0 = sid * ROWS_PER_TILE
    pltpu.sync_copy(zerosH, acc.at[pl.ds(row0, ROWS_PER_TILE)])
    pltpu.sync_copy(dst3.at[wid], idx_v)
    pltpu.sync_copy(onesH, ones_v)
    plsc.subcore_barrier()

    def body(c, carry):
        pltpu.sync_copy(ones_v, acc.at[idx_v.at[c]], add=True)
        return carry

    lax.fori_loop(0, CHUNKS, body, 0)
    plsc.subcore_barrier()
    pltpu.sync_copy(acc.at[pl.ds(row0, ROWS_PER_TILE)],
                    dp.at[cid, pl.ds(row0, ROWS_PER_TILE)])


@functools.partial(
    pl.kernel,
    out_type=jax.ShapeDtypeStruct((NC, NPAD, H), jnp.float32),
    mesh=_mesh,
    scratch_types=[
        pltpu.VMEM_SHARED((NPAD, H), jnp.float32),
        pltpu.VMEM((CHUNKS, CH), jnp.int32),
        pltpu.VMEM((IBLK, CH), jnp.int32),
        pltpu.VMEM((IBLK, CH), jnp.int32),
        pltpu.VMEM((CH, H), jnp.float32),
        pltpu.VMEM((CH, H), jnp.float32),
        pltpu.SemaphoreType.DMA,
        pltpu.SemaphoreType.DMA,
        pltpu.SemaphoreType.DMA,
        pltpu.SemaphoreType.DMA,
    ],
)
def _sc_edge_agg(hs, src3, dst3, zerosH, ap, acc, didx, sblk0, sblk1,
                 rows0, rows1, isem0, isem1, gsem0, gsem1):
    cid = lax.axis_index("c")
    sid = lax.axis_index("s")
    wid = sid * NC + cid
    row0 = sid * ROWS_PER_TILE
    pltpu.sync_copy(zerosH, acc.at[pl.ds(row0, ROWS_PER_TILE)])
    pltpu.sync_copy(dst3.at[wid], didx)
    pltpu.sync_copy(src3.at[wid, pl.ds(0, IBLK)], sblk0)
    plsc.subcore_barrier()
    sblks = (sblk0, sblk1)
    rows = (rows0, rows1)
    isems = (isem0, isem1)
    gsems = (gsem0, gsem1)
    pltpu.async_copy(src3.at[wid, pl.ds(IBLK, IBLK)], sblk1, isem1)
    pltpu.async_copy(hs.at[sblk0.at[0]], rows0, gsem0)

    def outer(g2, carry):
        for half in range(2):
            g = 2 * g2 + half
            sp = sblks[half]
            on = 1 - half
            for j in range(IBLK):
                c = g * IBLK + j
                rp = j % 2

                if j < IBLK - 1:
                    pltpu.async_copy(hs.at[sp.at[j + 1]], rows[1 - rp],
                                     gsems[1 - rp])
                else:
                    @pl.when(g + 1 < NIB)
                    def _next_block(on=on, rp=rp):
                        pltpu.make_async_copy(
                            src3.at[wid, pl.ds(0, IBLK)], sblks[on],
                            isems[on]).wait()
                        pltpu.async_copy(hs.at[sblks[on].at[0]],
                                         rows[1 - rp], gsems[1 - rp])

                pltpu.make_async_copy(hs.at[sp.at[0]], rows[rp],
                                      gsems[rp]).wait()
                pltpu.sync_copy(rows[rp], acc.at[didx.at[c]], add=True)

                if j == IBLK - 1:
                    @pl.when(g + 2 < NIB)
                    def _prefetch(g=g, half=half):
                        pltpu.async_copy(
                            src3.at[wid, pl.ds((g + 2) * IBLK, IBLK)],
                            sblks[half], isems[half])
        return carry

    lax.fori_loop(0, NIB // 2, outer, 0)
    plsc.subcore_barrier()
    pltpu.sync_copy(acc.at[pl.ds(row0, ROWS_PER_TILE)],
                    ap.at[cid, pl.ds(row0, ROWS_PER_TILE)])


def _tc1_body(x_ref, dp0_ref, dp1_ref, w1_ref, hs_ref, dinv_ref):
    deg = dp0_ref[...] + dp1_ref[...] + 1.0
    dinv = 1.0 / jnp.sqrt(deg)
    dinv_ref[...] = dinv[:, :16]
    u = jnp.dot(x_ref[...], w1_ref[...], preferred_element_type=jnp.float32)
    hs_ref[...] = u * dinv[:, :1]


def _tc1(x_p, dp0, dp1, W1):
    blk = ROWS_PER_TILE
    return pl.pallas_call(
        _tc1_body,
        grid=(NBLK,),
        in_specs=[
            pl.BlockSpec((blk, F), lambda i: (i, 0)),
            pl.BlockSpec((blk, H), lambda i: (i, 0)),
            pl.BlockSpec((blk, H), lambda i: (i, 0)),
            pl.BlockSpec((F, H), lambda i: (0, 0)),
        ],
        out_specs=[
            pl.BlockSpec((blk, H), lambda i: (i, 0)),
            pl.BlockSpec((blk, 16), lambda i: (i, 0)),
        ],
        out_shape=[
            jax.ShapeDtypeStruct((NPAD, H), jnp.float32),
            jax.ShapeDtypeStruct((NPAD, 16), jnp.float32),
        ],
    )(x_p, dp0, dp1, W1)


def _tc2_body(a0_ref, a1_ref, hs1_ref, dinv_ref, w2_ref, b1_ref, hs2_ref):
    i = pl.program_id(0)
    dinv = dinv_ref[...][:, :1]
    t = (a0_ref[...] + a1_ref[...] + hs1_ref[...]) * dinv
    h = jnp.maximum(t + b1_ref[...], 0.0)
    u = jnp.dot(h, w2_ref[...], preferred_element_type=jnp.float32)
    rows = i * ROWS_PER_TILE + lax.broadcasted_iota(jnp.int32, (ROWS_PER_TILE, H), 0)
    hs2_ref[...] = jnp.where(rows < N, u * dinv, 0.0)


def _tc2(a0, a1, hs1, dinv, W2, b1r):
    blk = ROWS_PER_TILE
    return pl.pallas_call(
        _tc2_body,
        grid=(NBLK,),
        in_specs=[
            pl.BlockSpec((blk, H), lambda i: (i, 0)),
            pl.BlockSpec((blk, H), lambda i: (i, 0)),
            pl.BlockSpec((blk, H), lambda i: (i, 0)),
            pl.BlockSpec((blk, 16), lambda i: (i, 0)),
            pl.BlockSpec((H, H), lambda i: (0, 0)),
            pl.BlockSpec((1, H), lambda i: (0, 0)),
        ],
        out_specs=pl.BlockSpec((blk, H), lambda i: (i, 0)),
        out_shape=jax.ShapeDtypeStruct((NPAD, H), jnp.float32),
    )(a0, a1, hs1, dinv, W2, b1r)


def _tc3_body(a0_ref, a1_ref, hs2_ref, dinv_ref, b2_ref, batch_ref,
              wm_ref, bm_ref, ws_ref, bs_ref, mean_ref, std_ref,
              psum, cntm):
    i = pl.program_id(0)

    @pl.when(i == 0)
    def _init():
        psum[...] = jnp.zeros_like(psum)
        cntm[...] = jnp.zeros_like(cntm)

    dinv = dinv_ref[...][:, :1]
    t = (a0_ref[...] + a1_ref[...] + hs2_ref[...]) * dinv
    h = jnp.maximum(t + b2_ref[...], 0.0)
    rows = i * ROWS_PER_TILE + lax.broadcasted_iota(jnp.int32, (ROWS_PER_TILE, G), 0)
    gids = lax.broadcasted_iota(jnp.int32, (ROWS_PER_TILE, G), 1)
    onehot = jnp.where((batch_ref[...] == gids) & (rows < N), 1.0, 0.0)
    psum[...] += lax.dot_general(onehot, h, (((0,), (0,)), ((), ())),
                                 preferred_element_type=jnp.float32)
    ones = jnp.ones((ROWS_PER_TILE, H), jnp.float32)
    cntm[...] += lax.dot_general(onehot, ones, (((0,), (0,)), ((), ())),
                                 preferred_element_type=jnp.float32)

    @pl.when(i == NBLK - 1)
    def _final():
        p = psum[...] / jnp.maximum(cntm[...], 1.0)
        pm = p[:, :H]
        mean_ref[...] = jnp.dot(pm, wm_ref[...], preferred_element_type=jnp.float32) + bm_ref[...]
        std_ref[...] = jnp.exp(
            jnp.dot(pm, ws_ref[...], preferred_element_type=jnp.float32) + bs_ref[...])


def _tc3(a0, a1, hs2, dinv, b2r, batch_p, Wm, bmr, Ws, bsr):
    blk = ROWS_PER_TILE
    return pl.pallas_call(
        _tc3_body,
        grid=(NBLK,),
        in_specs=[
            pl.BlockSpec((blk, H), lambda i: (i, 0)),
            pl.BlockSpec((blk, H), lambda i: (i, 0)),
            pl.BlockSpec((blk, H), lambda i: (i, 0)),
            pl.BlockSpec((blk, 16), lambda i: (i, 0)),
            pl.BlockSpec((1, H), lambda i: (0, 0)),
            pl.BlockSpec((blk, 1), lambda i: (i, 0)),
            pl.BlockSpec((H, L), lambda i: (0, 0)),
            pl.BlockSpec((1, L), lambda i: (0, 0)),
            pl.BlockSpec((H, L), lambda i: (0, 0)),
            pl.BlockSpec((1, L), lambda i: (0, 0)),
        ],
        out_specs=[
            pl.BlockSpec((G, L), lambda i: (0, 0)),
            pl.BlockSpec((G, L), lambda i: (0, 0)),
        ],
        out_shape=[
            jax.ShapeDtypeStruct((G, L), jnp.float32),
            jax.ShapeDtypeStruct((G, L), jnp.float32),
        ],
        scratch_shapes=[
            pltpu.VMEM((G, H), jnp.float32),
            pltpu.VMEM((G, H), jnp.float32),
        ],
    )(a0, a1, hs2, dinv, b2r, batch_p, Wm, bmr, Ws, bsr)


def kernel(x, edge_index, batch_index, W1, b1, W2, b2, Wm, bm, Ws, bs):
    src = edge_index[0].astype(jnp.int32)
    dst = edge_index[1].astype(jnp.int32)
    src_p = jnp.concatenate(
        [src, jnp.full((EPAD - E,), N, jnp.int32)]).reshape(NW, CHUNKS, CH)
    dst_p = jnp.concatenate(
        [dst, jnp.full((EPAD - E,), N, jnp.int32)]).reshape(NW, CHUNKS, CH)
    x_p = jnp.zeros((NPAD, F), jnp.float32).at[:N].set(x)
    batch_p = jnp.pad(batch_index.astype(jnp.int32), (0, NPAD - N)).reshape(NPAD, 1)
    zerosH = jnp.zeros((ROWS_PER_TILE, H), jnp.float32)
    onesH = jnp.ones((CH, H), jnp.float32)
    b1r = b1.reshape(1, H)
    b2r = b2.reshape(1, H)
    bmr = bm.reshape(1, L)
    bsr = bs.reshape(1, L)

    dp = jnp.zeros((NC, NPAD, H), jnp.float32)
    hs1, dinv = _tc1(x_p, dp[0], dp[1], W1)
    ap1 = _sc_edge_agg(hs1, src_p, dst_p, zerosH)
    hs2 = _tc2(ap1[0], ap1[1], hs1, dinv, W2, b1r)
    ap2 = _sc_edge_agg(hs2, src_p, dst_p, zerosH)
    mean, std = _tc3(ap2[0], ap2[1], hs2, dinv, b2r, batch_p, Wm, bmr, Ws, bsr)
    return mean, std

# --- scband reference (transcript-rebuilt; emitter-appended) ---
"""Pipeline reference for scband-gaussian-encoder-80487687127257 (READ-ONLY COPY).

The authoritative reference and input builder live on the scoring server;
editing this copy changes nothing except your own understanding.
"""

import jax, jax.numpy as jnp
import numpy as np

N = 10000
E = 320000
F = 128
H = 128
L = 64
G = 64


def _lin_init(key, fan_in, fan_out):
    bound = 1.0 / np.sqrt(fan_in)
    kw, kb = jax.random.split(key)
    W = jax.random.uniform(kw, (fan_in, fan_out), jnp.float32, -bound, bound)
    b = jax.random.uniform(kb, (fan_out,), jnp.float32, -bound, bound)
    return W, b


def setup_inputs(seed: int = 0) -> dict:
    key = jax.random.key(seed)
    ks = jax.random.split(key, 8)
    x = jax.random.normal(ks[0], (N, F), jnp.float32)
    edge_index = jax.random.randint(ks[1], (2, E), 0, N)
    batch_index = jnp.sort(jax.random.randint(ks[2], (N,), 0, G))
    W1, b1 = _lin_init(ks[3], F, H)
    W2, b2 = _lin_init(ks[4], H, H)
    Wm, bm = _lin_init(ks[5], H, L)
    Ws, bs = _lin_init(ks[6], H, L)
    return {"x": x, "edge_index": edge_index, "batch_index": batch_index,
            "W1": W1, "b1": b1, "W2": W2, "b2": b2,
            "Wm": Wm, "bm": bm, "Ws": Ws, "bs": bs}


def gcn_conv(x, edge_index, W, b, num_nodes):
    # GCNConv: D^{-1/2} (A + I) D^{-1/2} X W + b  (symmetric norm with self-loops)
    loop = jnp.arange(num_nodes, dtype=edge_index.dtype)
    src = jnp.concatenate([edge_index[0], loop])
    dst = jnp.concatenate([edge_index[1], loop])
    ones = jnp.ones(src.shape[0], dtype=x.dtype)
    deg = jax.ops.segment_sum(ones, dst, num_segments=num_nodes)
    deg_inv_sqrt = jnp.where(deg > 0, 1.0 / jnp.sqrt(deg), 0.0)
    norm = deg_inv_sqrt[src] * deg_inv_sqrt[dst]
    h = x @ W
    msgs = h[src] * norm[:, None]
    out = jax.ops.segment_sum(msgs, dst, num_segments=num_nodes)
    return out + b


def global_mean_pool(x, batch, num_graphs):
    s = jax.ops.segment_sum(x, batch, num_segments=num_graphs)
    cnt = jax.ops.segment_sum(jnp.ones((x.shape[0],), x.dtype), batch, num_segments=num_graphs)
    return s / jnp.clip(cnt, 1.0)[:, None]


def reference(x, edge_index, batch_index, W1, b1, W2, b2, Wm, bm, Ws, bs):
    h = jax.nn.relu(gcn_conv(x, edge_index, W1, b1, N))
    h = jax.nn.relu(gcn_conv(h, edge_index, W2, b2, N))
    p = global_mean_pool(h, batch_index, G)
    mean = p @ Wm + bm
    log_std = p @ Ws + bs
    std = jnp.exp(log_std)
    # td.Independent(td.Normal(mean, std), 1) is parameterized by (mean, std)
    return mean, std

if __name__ == "__main__":
    import jax
    _d = setup_inputs()
    print(jax.jit(kernel)(*tuple(_d.values())))

</pallas_src>

<mosaic_0001>
#map = affine_map<(d0, d1) -> (0, 0)>
#map1 = affine_map<(d0, d1) -> (0, 0, 0)>
module attributes {stable_mosaic.version = 14 : i64} {
  func.func @_sc_edge_agg(%arg0: i32, %arg1: i32, %arg2: memref<10240x128xf32, #tpu.memory_space<hbm>>, %arg3: memref<32x80x128xi32, #tpu.memory_space<hbm>>, %arg4: memref<32x80x128xi32, #tpu.memory_space<hbm>>, %arg5: memref<640x128xf32, #tpu.memory_space<hbm>>, %arg6: memref<2x10240x128xf32, #tpu.memory_space<hbm>>, %arg7: memref<10240x128xf32, #tpu.memory_space<vmem_shared>>, %arg8: memref<80x128xi32, #tpu.memory_space<vmem>>, %arg9: memref<4x128xi32, #tpu.memory_space<vmem>>, %arg10: memref<4x128xi32, #tpu.memory_space<vmem>>, %arg11: memref<128x128xf32, #tpu.memory_space<vmem>>, %arg12: memref<128x128xf32, #tpu.memory_space<vmem>>, %arg13: memref<!tpu.dma_semaphore, #tpu.memory_space<semaphore_mem>>, %arg14: memref<!tpu.dma_semaphore, #tpu.memory_space<semaphore_mem>>, %arg15: memref<!tpu.dma_semaphore, #tpu.memory_space<semaphore_mem>>, %arg16: memref<!tpu.dma_semaphore, #tpu.memory_space<semaphore_mem>>) attributes {dimension_semantics = [#tpu.dimension_semantics<core_parallel>, #tpu.dimension_semantics<subcore_parallel>], iteration_bounds = array<i64: 2, 16>, scalar_prefetch = 0 : i64, scratch_operands = 10 : i64, tpu.core_type = #tpu.core_type<sc_vector_subcore>, window_params = [{transform_indices = #map}, {transform_indices = #map1}, {transform_indices = #map1}, {transform_indices = #map}, {transform_indices = #map1}]} {
    %mul3A = arith.constant 2 : i32
    %mul3A_0 = arith.muli %arg1, %mul3A : i32
    %add3A = arith.addi %mul3A_0, %arg0 : i32
    %mul3A_1 = arith.constant 640 : i32
    %mul3A_2 = arith.muli %arg1, %mul3A_1 : i32
    "tpu.region"() ({
      %run_scoped3A = tpu.sem_alloc : memref<!tpu.dma_semaphore, #tpu.memory_space<semaphore_mem>>
      %dma_start3A_23 = arith.constant 0 : i32
      %dma_start3A_24 = tpu.memref_slice %arg7[%mul3A_2, %dma_start3A_23] : memref<10240x128xf32, #tpu.memory_space<vmem_shared>> -> memref<640x128xf32, #tpu.memory_space<vmem_shared>>
      tpu.enqueue_dma source(%arg5 : memref<640x128xf32, #tpu.memory_space<hbm>>) target(%dma_start3A_24 : memref<640x128xf32, #tpu.memory_space<vmem_shared>>) target_semaphore(%run_scoped3A : memref<!tpu.dma_semaphore, #tpu.memory_space<semaphore_mem>>)
      %dma_wait3A = arith.constant 0 : i32
      %dma_wait3A_25 = tpu.memref_slice %arg7[%mul3A_2, %dma_wait3A] : memref<10240x128xf32, #tpu.memory_space<vmem_shared>> -> memref<640x128xf32, #tpu.memory_space<vmem_shared>>
      tpu.wait_dma2 semaphore(%run_scoped3A : memref<!tpu.dma_semaphore, #tpu.memory_space<semaphore_mem>>) src(%arg5 : memref<640x128xf32, #tpu.memory_space<hbm>>) dst(%dma_wait3A_25 : memref<640x128xf32, #tpu.memory_space<vmem_shared>>)
      tpu.yield
    }) : () -> ()
    "tpu.region"() ({
      %run_scoped3A = tpu.sem_alloc : memref<!tpu.dma_semaphore, #tpu.memory_space<semaphore_mem>>
      %dma_start3A_23 = arith.constant 0 : i32
      %dma_start3A_24 = arith.constant 0 : i32
      %dma_start3A_25 = tpu.memref_slice %arg4[%add3A, %dma_start3A_23, %dma_start3A_24] : memref<32x80x128xi32, #tpu.memory_space<hbm>> -> memref<1x80x128xi32, #tpu.memory_space<hbm>>
      %dma_start3A_26 = tpu.memref_squeeze %dma_start3A_25 : memref<1x80x128xi32, #tpu.memory_space<hbm>> -> memref<80x128xi32, #tpu.memory_space<hbm>>
      %dma_start3A_27 = arith.constant 0 : i32
      %dma_start3A_28 = arith.constant 0 : i32
      %dma_start3A_29 = tpu.memref_slice %arg4[%add3A, %dma_start3A_27, %dma_start3A_28] : memref<32x80x128xi32, #tpu.memory_space<hbm>> -> memref<1x80x128xi32, #tpu.memory_space<hbm>>
      %dma_start3A_30 = tpu.memref_squeeze %dma_start3A_29 : memref<1x80x128xi32, #tpu.memory_space<hbm>> -> memref<80x128xi32, #tpu.memory_space<hbm>>
      tpu.enqueue_dma source(%dma_start3A_30 : memref<80x128xi32, #tpu.memory_space<hbm>>) target(%arg8 : memref<80x128xi32, #tpu.memory_space<vmem>>) target_semaphore(%run_scoped3A : memref<!tpu.dma_semaphore, #tpu.memory_space<semaphore_mem>>)
      %dma_wait3A = arith.constant 0 : i32
      %dma_wait3A_31 = arith.constant 0 : i32
      %dma_wait3A_32 = tpu.memref_slice %arg4[%add3A, %dma_wait3A, %dma_wait3A_31] : memref<32x80x128xi32, #tpu.memory_space<hbm>> -> memref<1x80x128xi32, #tpu.memory_space<hbm>>
      %dma_wait3A_33 = tpu.memref_squeeze %dma_wait3A_32 : memref<1x80x128xi32, #tpu.memory_space<hbm>> -> memref<80x128xi32, #tpu.memory_space<hbm>>
      %dma_wait3A_34 = arith.constant 0 : i32
      %dma_wait3A_35 = arith.constant 0 : i32
      %dma_wait3A_36 = tpu.memref_slice %arg4[%add3A, %dma_wait3A_34, %dma_wait3A_35] : memref<32x80x128xi32, #tpu.memory_space<hbm>> -> memref<1x80x128xi32, #tpu.memory_space<hbm>>
      %dma_wait3A_37 = tpu.memref_squeeze %dma_wait3A_36 : memref<1x80x128xi32, #tpu.memory_space<hbm>> -> memref<80x128xi32, #tpu.memory_space<hbm>>
      tpu.wait_dma2 semaphore(%run_scoped3A : memref<!tpu.dma_semaphore, #tpu.memory_space<semaphore_mem>>) src(%dma_wait3A_37 : memref<80x128xi32, #tpu.memory_space<hbm>>) dst(%arg8 : memref<80x128xi32, #tpu.memory_space<vmem>>)
      tpu.yield
    }) : () -> ()
    "tpu.region"() ({
      %run_scoped3A = tpu.sem_alloc : memref<!tpu.dma_semaphore, #tpu.memory_space<semaphore_mem>>
      %dma_start3A_23 = arith.constant 0 : i32
      %dma_start3A_24 = arith.constant 0 : i32
      %dma_start3A_25 = tpu.memref_slice %arg3[%add3A, %dma_start3A_23, %dma_start3A_24] : memref<32x80x128xi32, #tpu.memory_space<hbm>> -> memref<1x4x128xi32, #tpu.memory_space<hbm>>
      %dma_start3A_26 = tpu.memref_squeeze %dma_start3A_25 : memref<1x4x128xi32, #tpu.memory_space<hbm>> -> memref<4x128xi32, #tpu.memory_space<hbm>>
      %dma_start3A_27 = arith.constant 0 : i32
      %dma_start3A_28 = arith.constant 0 : i32
      %dma_start3A_29 = tpu.memref_slice %arg3[%add3A, %dma_start3A_27, %dma_start3A_28] : memref<32x80x128xi32, #tpu.memory_space<hbm>> -> memref<1x4x128xi32, #tpu.memory_space<hbm>>
      %dma_start3A_30 = tpu.memref_squeeze %dma_start3A_29 : memref<1x4x128xi32, #tpu.memory_space<hbm>> -> memref<4x128xi32, #tpu.memory_space<hbm>>
      tpu.enqueue_dma source(%dma_start3A_30 : memref<4x128xi32, #tpu.memory_space<hbm>>) target(%arg9 : memref<4x128xi32, #tpu.memory_space<vmem>>) target_semaphore(%run_scoped3A : memref<!tpu.dma_semaphore, #tpu.memory_space<semaphore_mem>>)
      %dma_wait3A = arith.constant 0 : i32
      %dma_wait3A_31 = arith.constant 0 : i32
      %dma_wait3A_32 = tpu.memref_slice %arg3[%add3A, %dma_wait3A, %dma_wait3A_31] : memref<32x80x128xi32, #tpu.memory_space<hbm>> -> memref<1x4x128xi32, #tpu.memory_space<hbm>>
      %dma_wait3A_33 = tpu.memref_squeeze %dma_wait3A_32 : memref<1x4x128xi32, #tpu.memory_space<hbm>> -> memref<4x128xi32, #tpu.memory_space<hbm>>
      %dma_wait3A_34 = arith.constant 0 : i32
      %dma_wait3A_35 = arith.constant 0 : i32
      %dma_wait3A_36 = tpu.memref_slice %arg3[%add3A, %dma_wait3A_34, %dma_wait3A_35] : memref<32x80x128xi32, #tpu.memory_space<hbm>> -> memref<1x4x128xi32, #tpu.memory_space<hbm>>
      %dma_wait3A_37 = tpu.memref_squeeze %dma_wait3A_36 : memref<1x4x128xi32, #tpu.memory_space<hbm>> -> memref<4x128xi32, #tpu.memory_space<hbm>>
      tpu.wait_dma2 semaphore(%run_scoped3A : memref<!tpu.dma_semaphore, #tpu.memory_space<semaphore_mem>>) src(%dma_wait3A_37 : memref<4x128xi32, #tpu.memory_space<hbm>>) dst(%arg9 : memref<4x128xi32, #tpu.memory_space<vmem>>)
      tpu.yield
    }) : () -> ()
    %barrier3A = arith.constant 0 : index
    tpu.barrier barrier_id(%barrier3A)
    %dma_start3A = arith.constant 4 : i32
    %dma_start3A_3 = arith.constant 0 : i32
    %dma_start3A_4 = tpu.memref_slice %arg3[%add3A, %dma_start3A, %dma_start3A_3] : memref<32x80x128xi32, #tpu.memory_space<hbm>> -> memref<1x4x128xi32, #tpu.memory_space<hbm>>
    %dma_start3A_5 = tpu.memref_squeeze %dma_start3A_4 : memref<1x4x128xi32, #tpu.memory_space<hbm>> -> memref<4x128xi32, #tpu.memory_space<hbm>>
    %dma_start3A_6 = arith.constant 4 : i32
    %dma_start3A_7 = arith.constant 0 : i32
    %dma_start3A_8 = tpu.memref_slice %arg3[%add3A, %dma_start3A_6, %dma_start3A_7] : memref<32x80x128xi32, #tpu.memory_space<hbm>> -> memref<1x4x128xi32, #tpu.memory_space<hbm>>
    %dma_start3A_9 = tpu.memref_squeeze %dma_start3A_8 : memref<1x4x128xi32, #tpu.memory_space<hbm>> -> memref<4x128xi32, #tpu.memory_space<hbm>>
    tpu.enqueue_dma source(%dma_start3A_9 : memref<4x128xi32, #tpu.memory_space<hbm>>) target(%arg10 : memref<4x128xi32, #tpu.memory_space<vmem>>) target_semaphore(%arg14 : memref<!tpu.dma_semaphore, #tpu.memory_space<semaphore_mem>>)
    %dma_start3A_10 = arith.constant 0 : i32
    %dma_start3A_11 = arith.constant 0 : i32
    %dma_start3A_12 = tpu.memref_slice %arg9[%dma_start3A_10, %dma_start3A_11] : memref<4x128xi32, #tpu.memory_space<vmem>> -> memref<1x128xi32, #tpu.memory_space<vmem>>
    %dma_start3A_13 = tpu.memref_squeeze %dma_start3A_12 : memref<1x128xi32, #tpu.memory_space<vmem>> -> memref<128xi32, #tpu.memory_space<vmem>>
    %dma_start3A_14 = arith.constant 0 : i32
    %dma_start3A_15 = arith.constant 0 : i32
    %dma_start3A_16 = tpu.memref_slice %arg2[%dma_start3A_14, %dma_start3A_15] : memref<10240x128xf32, #tpu.memory_space<hbm>> -> memref<10240x128xf32, #tpu.memory_space<hbm>>
    tpu.enqueue_indirect_dma source(%dma_start3A_16 : memref<10240x128xf32, #tpu.memory_space<hbm>>) target(%arg11 : memref<128x128xf32, #tpu.memory_space<vmem>>) offsets(%dma_start3A_13 : memref<128xi32, #tpu.memory_space<vmem>>) semaphore(%arg15 : memref<!tpu.dma_semaphore, #tpu.memory_space<semaphore_mem>>)
    %scan3A = arith.constant 0 : i32
    %scan3A_17 = arith.constant 0 : i32
    %scan3A_18 = arith.constant 10 : i32
    %scan3A_19 = arith.addi %scan3A_17, %scan3A_18 : i32
    %scan3A_20 = arith.constant 1 : i32
    scf.for %scan3A_23 = %scan3A_17 to %scan3A_19 step %scan3A_20  : i32 {
      %mul3A_24 = arith.constant 2 : i32
      %mul3A_25 = arith.muli %mul3A_24, %scan3A_23 : i32
      %add3A_26 = arith.constant 0 : i32
      %add3A_27 = arith.addi %mul3A_25, %add3A_26 : i32
      %mul3A_28 = arith.constant 4 : i32
      %mul3A_29 = arith.muli %add3A_27, %mul3A_28 : i32
      %add3A_30 = arith.constant 0 : i32
      %add3A_31 = arith.addi %mul3A_29, %add3A_30 : i32
      %dma_start3A_32 = arith.constant 1 : i32
      %dma_start3A_33 = arith.constant 0 : i32
      %dma_start3A_34 = tpu.memref_slice %arg9[%dma_start3A_32, %dma_start3A_33] : memref<4x128xi32, #tpu.memory_space<vmem>> -> memref<1x128xi32, #tpu.memory_space<vmem>>
      %dma_start3A_35 = tpu.memref_squeeze %dma_start3A_34 : memref<1x128xi32, #tpu.memory_space<vmem>> -> memref<128xi32, #tpu.memory_space<vmem>>
      %dma_start3A_36 = arith.constant 0 : i32
      %dma_start3A_37 = arith.constant 0 : i32
      %dma_start3A_38 = tpu.memref_slice %arg2[%dma_start3A_36, %dma_start3A_37] : memref<10240x128xf32, #tpu.memory_space<hbm>> -> memref<10240x128xf32, #tpu.memory_space<hbm>>
      tpu.enqueue_indirect_dma source(%dma_start3A_38 : memref<10240x128xf32, #tpu.memory_space<hbm>>) target(%arg12 : memref<128x128xf32, #tpu.memory_space<vmem>>) offsets(%dma_start3A_35 : memref<128xi32, #tpu.memory_space<vmem>>) semaphore(%arg16 : memref<!tpu.dma_semaphore, #tpu.memory_space<semaphore_mem>>)
      %dma_wait3A = arith.constant 0 : i32
      %dma_wait3A_39 = arith.constant 0 : i32
      %dma_wait3A_40 = tpu.memref_slice %arg9[%dma_wait3A, %dma_wait3A_39] : memref<4x128xi32, #tpu.memory_space<vmem>> -> memref<1x128xi32, #tpu.memory_space<vmem>>
      %dma_wait3A_41 = tpu.memref_squeeze %dma_wait3A_40 : memref<1x128xi32, #tpu.memory_space<vmem>> -> memref<128xi32, #tpu.memory_space<vmem>>
      %dma_wait3A_42 = arith.constant 0 : i32
      %dma_wait3A_43 = arith.constant 0 : i32
      %dma_wait3A_44 = tpu.memref_slice %arg2[%dma_wait3A_42, %dma_wait3A_43] : memref<10240x128xf32, #tpu.memory_space<hbm>> -> memref<10240x128xf32, #tpu.memory_space<hbm>>
      tpu.wait_indirect_dma semaphore(%arg15 : memref<!tpu.dma_semaphore, #tpu.memory_space<semaphore_mem>>) src(%dma_wait3A_44 : memref<10240x128xf32, #tpu.memory_space<hbm>>) dst(%arg11 : memref<128x128xf32, #tpu.memory_space<vmem>>)
      "tpu.region"() ({
        %run_scoped3A = tpu.sem_alloc : memref<!tpu.dma_semaphore, #tpu.memory_space<semaphore_mem>>
        %dma_start3A_186 = arith.constant 0 : i32
        %dma_start3A_187 = tpu.memref_slice %arg8[%add3A_31, %dma_start3A_186] : memref<80x128xi32, #tpu.memory_space<vmem>> -> memref<1x128xi32, #tpu.memory_space<vmem>>
        %dma_start3A_188 = tpu.memref_squeeze %dma_start3A_187 : memref<1x128xi32, #tpu.memory_space<vmem>> -> memref<128xi32, #tpu.memory_space<vmem>>
        %dma_start3A_189 = arith.constant 0 : i32
        %dma_start3A_190 = arith.constant 0 : i32
        %dma_start3A_191 = tpu.memref_slice %arg7[%dma_start3A_189, %dma_start3A_190] : memref<10240x128xf32, #tpu.memory_space<vmem_shared>> -> memref<10240x128xf32, #tpu.memory_space<vmem_shared>>
        tpu.enqueue_indirect_dma source(%arg11 : memref<128x128xf32, #tpu.memory_space<vmem>>) target(%dma_start3A_191 : memref<10240x128xf32, #tpu.memory_space<vmem_shared>>) offsets(%dma_start3A_188 : memref<128xi32, #tpu.memory_space<vmem>>) semaphore(%run_scoped3A : memref<!tpu.dma_semaphore, #tpu.memory_space<semaphore_mem>>) {add = true}
        %dma_wait3A_192 = arith.constant 0 : i32
        %dma_wait3A_193 = tpu.memref_slice %arg8[%add3A_31, %dma_wait3A_192] : memref<80x128xi32, #tpu.memory_space<vmem>> -> memref<1x128xi32, #tpu.memory_space<vmem>>
        %dma_wait3A_194 = tpu.memref_squeeze %dma_wait3A_193 : memref<1x128xi32, #tpu.memory_space<vmem>> -> memref<128xi32, #tpu.memory_space<vmem>>
        %dma_wait3A_195 = arith.constant 0 : i32
        %dma_wait3A_196 = arith.constant 0 : i32
        %dma_wait3A_197 = tpu.memref_slice %arg7[%dma_wait3A_195, %dma_wait3A_196] : memref<10240x128xf32, #tpu.memory_space<vmem_shared>> -> memref<10240x128xf32, #tpu.memory_space<vmem_shared>>
        tpu.wait_indirect_dma semaphore(%run_scoped3A : memref<!tpu.dma_semaphore, #tpu.memory_space<semaphore_mem>>) src(%arg11 : memref<128x128xf32, #tpu.memory_space<vmem>>) dst(%dma_wait3A_197 : memref<10240x128xf32, #tpu.memory_space<vmem_shared>>)
        tpu.yield
      }) : () -> ()
      %mul3A_45 = arith.constant 4 : i32
      %mul3A_46 = arith.muli %add3A_27, %mul3A_45 : i32
      %add3A_47 = arith.constant 1 : i32
      %add3A_48 = arith.addi %mul3A_46, %add3A_47 : i32
      %dma_start3A_49 = arith.constant 2 : i32
      %dma_start3A_50 = arith.constant 0 : i32
      %dma_start3A_51 = tpu.memref_slice %arg9[%dma_start3A_49, %dma_start3A_50] : memref<4x128xi32, #tpu.memory_space<vmem>> -> memref<1x128xi32, #tpu.memory_space<vmem>>
      %dma_start3A_52 = tpu.memref_squeeze %dma_start3A_51 : memref<1x128xi32, #tpu.memory_space<vmem>> -> memref<128xi32, #tpu.memory_space<vmem>>
      %dma_start3A_53 = arith.constant 0 : i32
      %dma_start3A_54 = arith.constant 0 : i32
      %dma_start3A_55 = tpu.memref_slice %arg2[%dma_start3A_53, %dma_start3A_54] : memref<10240x128xf32, #tpu.memory_space<hbm>> -> memref<10240x128xf32, #tpu.memory_space<hbm>>
      tpu.enqueue_indirect_dma source(%dma_start3A_55 : memref<10240x128xf32, #tpu.memory_space<hbm>>) target(%arg11 : memref<128x128xf32, #tpu.memory_space<vmem>>) offsets(%dma_start3A_52 : memref<128xi32, #tpu.memory_space<vmem>>) semaphore(%arg15 : memref<!tpu.dma_semaphore, #tpu.memory_space<semaphore_mem>>)
      %dma_wait3A_56 = arith.constant 0 : i32
      %dma_wait3A_57 = arith.constant 0 : i32
      %dma_wait3A_58 = tpu.memref_slice %arg9[%dma_wait3A_56, %dma_wait3A_57] : memref<4x128xi32, #tpu.memory_space<vmem>> -> memref<1x128xi32, #tpu.memory_space<vmem>>
      %dma_wait3A_59 = tpu.memref_squeeze %dma_wait3A_58 : memref<1x128xi32, #tpu.memory_space<vmem>> -> memref<128xi32, #tpu.memory_space<vmem>>
      %dma_wait3A_60 = arith.constant 0 : i32
      %dma_wait3A_61 = arith.constant 0 : i32
      %dma_wait3A_62 = tpu.memref_slice %arg2[%dma_wait3A_60, %dma_wait3A_61] : memref<10240x128xf32, #tpu.memory_space<hbm>> -> memref<10240x128xf32, #tpu.memory_space<hbm>>
      tpu.wait_indirect_dma semaphore(%arg16 : memref<!tpu.dma_semaphore, #tpu.memory_space<semaphore_mem>>) src(%dma_wait3A_62 : memref<10240x128xf32, #tpu.memory_space<hbm>>) dst(%arg12 : memref<128x128xf32, #tpu.memory_space<vmem>>)
      "tpu.region"() ({
        %run_scoped3A = tpu.sem_alloc : memref<!tpu.dma_semaphore, #tpu.memory_space<semaphore_mem>>
        %dma_start3A_186 = arith.constant 0 : i32
        %dma_start3A_187 = tpu.memref_slice %arg8[%add3A_48, %dma_start3A_186] : memref<80x128xi32, #tpu.memory_space<vmem>> -> memref<1x128xi32, #tpu.memory_space<vmem>>
        %dma_start3A_188 = tpu.memref_squeeze %dma_start3A_187 : memref<1x128xi32, #tpu.memory_space<vmem>> -> memref<128xi32, #tpu.memory_space<vmem>>
        %dma_start3A_189 = arith.constant 0 : i32
        %dma_start3A_190 = arith.constant 0 : i32
        %dma_start3A_191 = tpu.memref_slice %arg7[%dma_start3A_189, %dma_start3A_190] : memref<10240x128xf32, #tpu.memory_space<vmem_shared>> -> memref<10240x128xf32, #tpu.memory_space<vmem_shared>>
        tpu.enqueue_indirect_dma source(%arg12 : memref<128x128xf32, #tpu.memory_space<vmem>>) target(%dma_start3A_191 : memref<10240x128xf32, #tpu.memory_space<vmem_shared>>) offsets(%dma_start3A_188 : memref<128xi32, #tpu.memory_space<vmem>>) semaphore(%run_scoped3A : memref<!tpu.dma_semaphore, #tpu.memory_space<semaphore_mem>>) {add = true}
        %dma_wait3A_192 = arith.constant 0 : i32
        %dma_wait3A_193 = tpu.memref_slice %arg8[%add3A_48, %dma_wait3A_192] : memref<80x128xi32, #tpu.memory_space<vmem>> -> memref<1x128xi32, #tpu.memory_space<vmem>>
        %dma_wait3A_194 = tpu.memref_squeeze %dma_wait3A_193 : memref<1x128xi32, #tpu.memory_space<vmem>> -> memref<128xi32, #tpu.memory_space<vmem>>
        %dma_wait3A_195 = arith.constant 0 : i32
        %dma_wait3A_196 = arith.constant 0 : i32
        %dma_wait3A_197 = tpu.memref_slice %arg7[%dma_wait3A_195, %dma_wait3A_196] : memref<10240x128xf32, #tpu.memory_space<vmem_shared>> -> memref<10240x128xf32, #tpu.memory_space<vmem_shared>>
        tpu.wait_indirect_dma semaphore(%run_scoped3A : memref<!tpu.dma_semaphore, #tpu.memory_space<semaphore_mem>>) src(%arg12 : memref<128x128xf32, #tpu.memory_space<vmem>>) dst(%dma_wait3A_197 : memref<10240x128xf32, #tpu.memory_space<vmem_shared>>)
        tpu.yield
      }) : () -> ()
      %mul3A_63 = arith.constant 4 : i32
      %mul3A_64 = arith.muli %add3A_27, %mul3A_63 : i32
      %add3A_65 = arith.constant 2 : i32
      %add3A_66 = arith.addi %mul3A_64, %add3A_65 : i32
      %dma_start3A_67 = arith.constant 3 : i32
      %dma_start3A_68 = arith.constant 0 : i32
      %dma_start3A_69 = tpu.memref_slice %arg9[%dma_start3A_67, %dma_start3A_68] : memref<4x128xi32, #tpu.memory_space<vmem>> -> memref<1x128xi32, #tpu.memory_space<vmem>>
      %dma_start3A_70 = tpu.memref_squeeze %dma_start3A_69 : memref<1x128xi32, #tpu.memory_space<vmem>> -> memref<128xi32, #tpu.memory_space<vmem>>
      %dma_start3A_71 = arith.constant 0 : i32
      %dma_start3A_72 = arith.constant 0 : i32
      %dma_start3A_73 = tpu.memref_slice %arg2[%dma_start3A_71, %dma_start3A_72] : memref<10240x128xf32, #tpu.memory_space<hbm>> -> memref<10240x128xf32, #tpu.memory_space<hbm>>
      tpu.enqueue_indirect_dma source(%dma_start3A_73 : memref<10240x128xf32, #tpu.memory_space<hbm>>) target(%arg12 : memref<128x128xf32, #tpu.memory_space<vmem>>) offsets(%dma_start3A_70 : memref<128xi32, #tpu.memory_space<vmem>>) semaphore(%arg16 : memref<!tpu.dma_semaphore, #tpu.memory_space<semaphore_mem>>)
      %dma_wait3A_74 = arith.constant 0 : i32
      %dma_wait3A_75 = arith.constant 0 : i32
      %dma_wait3A_76 = tpu.memref_slice %arg9[%dma_wait3A_74, %dma_wait3A_75] : memref<4x128xi32, #tpu.memory_space<vmem>> -> memref<1x128xi32, #tpu.memory_space<vmem>>
      %dma_wait3A_77 = tpu.memref_squeeze %dma_wait3A_76 : memref<1x128xi32, #tpu.memory_space<vmem>> -> memref<128xi32, #tpu.memory_space<vmem>>
      %dma_wait3A_78 = arith.constant 0 : i32
      %dma_wait3A_79 = arith.constant 0 : i32
      %dma_wait3A_80 = tpu.memref_slice %arg2[%dma_wait3A_78, %dma_wait3A_79] : memref<10240x128xf32, #tpu.memory_space<hbm>> -> memref<10240x128xf32, #tpu.memory_space<hbm>>
      tpu.wait_indirect_dma semaphore(%arg15 : memref<!tpu.dma_semaphore, #tpu.memory_space<semaphore_mem>>) src(%dma_wait3A_80 : memref<10240x128xf32, #tpu.memory_space<hbm>>) dst(%arg11 : memref<128x128xf32, #tpu.memory_space<vmem>>)
      "tpu.region"() ({
        %run_scoped3A = tpu.sem_alloc : memref<!tpu.dma_semaphore, #tpu.memory_space<semaphore_mem>>
        %dma_start3A_186 = arith.constant 0 : i32
        %dma_start3A_187 = tpu.memref_slice %arg8[%add3A_66, %dma_start3A_186] : memref<80x128xi32, #tpu.memory_space<vmem>> -> memref<1x128xi32, #tpu.memory_space<vmem>>
        %dma_start3A_188 = tpu.memref_squeeze %dma_start3A_187 : memref<1x128xi32, #tpu.memory_space<vmem>> -> memref<128xi32, #tpu.memory_space<vmem>>
        %dma_start3A_189 = arith.constant 0 : i32
        %dma_start3A_190 = arith.constant 0 : i32
        %dma_start3A_191 = tpu.memref_slice %arg7[%dma_start3A_189, %dma_start3A_190] : memref<10240x128xf32, #tpu.memory_space<vmem_shared>> -> memref<10240x128xf32, #tpu.memory_space<vmem_shared>>
        tpu.enqueue_indirect_dma source(%arg11 : memref<128x128xf32, #tpu.memory_space<vmem>>) target(%dma_start3A_191 : memref<10240x128xf32, #tpu.memory_space<vmem_shared>>) offsets(%dma_start3A_188 : memref<128xi32, #tpu.memory_space<vmem>>) semaphore(%run_scoped3A : memref<!tpu.dma_semaphore, #tpu.memory_space<semaphore_mem>>) {add = true}
        %dma_wait3A_192 = arith.constant 0 : i32
        %dma_wait3A_193 = tpu.memref_slice %arg8[%add3A_66, %dma_wait3A_192] : memref<80x128xi32, #tpu.memory_space<vmem>> -> memref<1x128xi32, #tpu.memory_space<vmem>>
        %dma_wait3A_194 = tpu.memref_squeeze %dma_wait3A_193 : memref<1x128xi32, #tpu.memory_space<vmem>> -> memref<128xi32, #tpu.memory_space<vmem>>
        %dma_wait3A_195 = arith.constant 0 : i32
        %dma_wait3A_196 = arith.constant 0 : i32
        %dma_wait3A_197 = tpu.memref_slice %arg7[%dma_wait3A_195, %dma_wait3A_196] : memref<10240x128xf32, #tpu.memory_space<vmem_shared>> -> memref<10240x128xf32, #tpu.memory_space<vmem_shared>>
        tpu.wait_indirect_dma semaphore(%run_scoped3A : memref<!tpu.dma_semaphore, #tpu.memory_space<semaphore_mem>>) src(%arg11 : memref<128x128xf32, #tpu.memory_space<vmem>>) dst(%dma_wait3A_197 : memref<10240x128xf32, #tpu.memory_space<vmem_shared>>)
        tpu.yield
      }) : () -> ()
      %mul3A_81 = arith.constant 4 : i32
      %mul3A_82 = arith.muli %add3A_27, %mul3A_81 : i32
      %add3A_83 = arith.constant 3 : i32
      %add3A_84 = arith.addi %mul3A_82, %add3A_83 : i32
      %add3A_85 = arith.constant 1 : i32
      %add3A_86 = arith.addi %add3A_27, %add3A_85 : i32
      %lt3A = arith.constant 20 : i32
      %lt3A_87 = arith.cmpi slt, %add3A_86, %lt3A : i32
      %convert_element_type3A = arith.extui %lt3A_87 : i1 to i32
      %cond3A = arith.constant 0 : i32
      %cond3A_88 = arith.cmpi ne, %convert_element_type3A, %cond3A : i32
      scf.if %cond3A_88 {
        %dma_wait3A_186 = arith.constant 0 : i32
        %dma_wait3A_187 = arith.constant 0 : i32
        %dma_wait3A_188 = tpu.memref_slice %arg3[%add3A, %dma_wait3A_186, %dma_wait3A_187] : memref<32x80x128xi32, #tpu.memory_space<hbm>> -> memref<1x4x128xi32, #tpu.memory_space<hbm>>
        %dma_wait3A_189 = tpu.memref_squeeze %dma_wait3A_188 : memref<1x4x128xi32, #tpu.memory_space<hbm>> -> memref<4x128xi32, #tpu.memory_space<hbm>>
        %dma_wait3A_190 = arith.constant 0 : i32
        %dma_wait3A_191 = arith.constant 0 : i32
        %dma_wait3A_192 = tpu.memref_slice %arg3[%add3A, %dma_wait3A_190, %dma_wait3A_191] : memref<32x80x128xi32, #tpu.memory_space<hbm>> -> memref<1x4x128xi32, #tpu.memory_space<hbm>>
        %dma_wait3A_193 = tpu.memref_squeeze %dma_wait3A_192 : memref<1x4x128xi32, #tpu.memory_space<hbm>> -> memref<4x128xi32, #tpu.memory_space<hbm>>
        tpu.wait_dma2 semaphore(%arg14 : memref<!tpu.dma_semaphore, #tpu.memory_space<semaphore_mem>>) src(%dma_wait3A_193 : memref<4x128xi32, #tpu.memory_space<hbm>>) dst(%arg10 : memref<4x128xi32, #tpu.memory_space<vmem>>)
        %dma_start3A_194 = arith.constant 0 : i32
        %dma_start3A_195 = arith.constant 0 : i32
        %dma_start3A_196 = tpu.memref_slice %arg10[%dma_start3A_194, %dma_start3A_195] : memref<4x128xi32, #tpu.memory_space<vmem>> -> memref<1x128xi32, #tpu.memory_space<vmem>>
        %dma_start3A_197 = tpu.memref_squeeze %dma_start3A_196 : memref<1x128xi32, #tpu.memory_space<vmem>> -> memref<128xi32, #tpu.memory_space<vmem>>
        %dma_start3A_198 = arith.constant 0 : i32
        %dma_start3A_199 = arith.constant 0 : i32
        %dma_start3A_200 = tpu.memref_slice %arg2[%dma_start3A_198, %dma_start3A_199] : memref<10240x128xf32, #tpu.memory_space<hbm>> -> memref<10240x128xf32, #tpu.memory_space<hbm>>
        tpu.enqueue_indirect_dma source(%dma_start3A_200 : memref<10240x128xf32, #tpu.memory_space<hbm>>) target(%arg11 : memref<128x128xf32, #tpu.memory_space<vmem>>) offsets(%dma_start3A_197 : memref<128xi32, #tpu.memory_space<vmem>>) semaphore(%arg15 : memref<!tpu.dma_semaphore, #tpu.memory_space<semaphore_mem>>)
      } else {
      }
      %dma_wait3A_89 = arith.constant 0 : i32
      %dma_wait3A_90 = arith.constant 0 : i32
      %dma_wait3A_91 = tpu.memref_slice %arg9[%dma_wait3A_89, %dma_wait3A_90] : memref<4x128xi32, #tpu.memory_space<vmem>> -> memref<1x128xi32, #tpu.memory_space<vmem>>
      %dma_wait3A_92 = tpu.memref_squeeze %dma_wait3A_91 : memref<1x128xi32, #tpu.memory_space<vmem>> -> memref<128xi32, #tpu.memory_space<vmem>>
      %dma_wait3A_93 = arith.constant 0 : i32
      %dma_wait3A_94 = arith.constant 0 : i32
      %dma_wait3A_95 = tpu.memref_slice %arg2[%dma_wait3A_93, %dma_wait3A_94] : memref<10240x128xf32, #tpu.memory_space<hbm>> -> memref<10240x128xf32, #tpu.memory_space<hbm>>
      tpu.wait_indirect_dma semaphore(%arg16 : memref<!tpu.dma_semaphore, #tpu.memory_space<semaphore_mem>>) src(%dma_wait3A_95 : memref<10240x128xf32, #tpu.memory_space<hbm>>) dst(%arg12 : memref<128x128xf32, #tpu.memory_space<vmem>>)
      "tpu.region"() ({
        %run_scoped3A = tpu.sem_alloc : memref<!tpu.dma_semaphore, #tpu.memory_space<semaphore_mem>>
        %dma_start3A_186 = arith.constant 0 : i32
        %dma_start3A_187 = tpu.memref_slice %arg8[%add3A_84, %dma_start3A_186] : memref<80x128xi32, #tpu.memory_space<vmem>> -> memref<1x128xi32, #tpu.memory_space<vmem>>
        %dma_start3A_188 = tpu.memref_squeeze %dma_start3A_187 : memref<1x128xi32, #tpu.memory_space<vmem>> -> memref<128xi32, #tpu.memory_space<vmem>>
        %dma_start3A_189 = arith.constant 0 : i32
        %dma_start3A_190 = arith.constant 0 : i32
        %dma_start3A_191 = tpu.memref_slice %arg7[%dma_start3A_189, %dma_start3A_190] : memref<10240x128xf32, #tpu.memory_space<vmem_shared>> -> memref<10240x128xf32, #tpu.memory_space<vmem_shared>>
        tpu.enqueue_indirect_dma source(%arg12 : memref<128x128xf32, #tpu.memory_space<vmem>>) target(%dma_start3A_191 : memref<10240x128xf32, #tpu.memory_space<vmem_shared>>) offsets(%dma_start3A_188 : memref<128xi32, #tpu.memory_space<vmem>>) semaphore(%run_scoped3A : memref<!tpu.dma_semaphore, #tpu.memory_space<semaphore_mem>>) {add = true}
        %dma_wait3A_192 = arith.constant 0 : i32
        %dma_wait3A_193 = tpu.memref_slice %arg8[%add3A_84, %dma_wait3A_192] : memref<80x128xi32, #tpu.memory_space<vmem>> -> memref<1x128xi32, #tpu.memory_space<vmem>>
        %dma_wait3A_194 = tpu.memref_squeeze %dma_wait3A_193 : memref<1x128xi32, #tpu.memory_space<vmem>> -> memref<128xi32, #tpu.memory_space<vmem>>
        %dma_wait3A_195 = arith.constant 0 : i32
        %dma_wait3A_196 = arith.constant 0 : i32
        %dma_wait3A_197 = tpu.memref_slice %arg7[%dma_wait3A_195, %dma_wait3A_196] : memref<10240x128xf32, #tpu.memory_space<vmem_shared>> -> memref<10240x128xf32, #tpu.memory_space<vmem_shared>>
        tpu.wait_indirect_dma semaphore(%run_scoped3A : memref<!tpu.dma_semaphore, #tpu.memory_space<semaphore_mem>>) src(%arg12 : memref<128x128xf32, #tpu.memory_space<vmem>>) dst(%dma_wait3A_197 : memref<10240x128xf32, #tpu.memory_space<vmem_shared>>)
        tpu.yield
      }) : () -> ()
      %add3A_96 = arith.constant 2 : i32
      %add3A_97 = arith.addi %add3A_27, %add3A_96 : i32
      %lt3A_98 = arith.constant 20 : i32
      %lt3A_99 = arith.cmpi slt, %add3A_97, %lt3A_98 : i32
      %convert_element_type3A_100 = arith.extui %lt3A_99 : i1 to i32
      %cond3A_101 = arith.constant 0 : i32
      %cond3A_102 = arith.cmpi ne, %convert_element_type3A_100, %cond3A_101 : i32
      scf.if %cond3A_102 {
        %add3A_186 = arith.constant 2 : i32
        %add3A_187 = arith.addi %add3A_27, %add3A_186 : i32
        %mul3A_188 = arith.constant 4 : i32
        %mul3A_189 = arith.muli %add3A_187, %mul3A_188 : i32
        %dma_start3A_190 = arith.constant 0 : i32
        %dma_start3A_191 = tpu.memref_slice %arg3[%add3A, %mul3A_189, %dma_start3A_190] : memref<32x80x128xi32, #tpu.memory_space<hbm>> -> memref<1x4x128xi32, #tpu.memory_space<hbm>>
        %dma_start3A_192 = tpu.memref_squeeze %dma_start3A_191 : memref<1x4x128xi32, #tpu.memory_space<hbm>> -> memref<4x128xi32, #tpu.memory_space<hbm>>
        %dma_start3A_193 = arith.constant 0 : i32
        %dma_start3A_194 = tpu.memref_slice %arg3[%add3A, %mul3A_189, %dma_start3A_193] : memref<32x80x128xi32, #tpu.memory_space<hbm>> -> memref<1x4x128xi32, #tpu.memory_space<hbm>>
        %dma_start3A_195 = tpu.memref_squeeze %dma_start3A_194 : memref<1x4x128xi32, #tpu.memory_space<hbm>> -> memref<4x128xi32, #tpu.memory_space<hbm>>
        tpu.enqueue_dma source(%dma_start3A_195 : memref<4x128xi32, #tpu.memory_space<hbm>>) target(%arg9 : memref<4x128xi32, #tpu.memory_space<vmem>>) target_semaphore(%arg13 : memref<!tpu.dma_semaphore, #tpu.memory_space<semaphore_mem>>)
      } else {
      }
      %mul3A_103 = arith.constant 2 : i32
      %mul3A_104 = arith.muli %mul3A_103, %scan3A_23 : i32
      %add3A_105 = arith.constant 1 : i32
      %add3A_106 = arith.addi %mul3A_104, %add3A_105 : i32
      %mul3A_107 = arith.constant 4 : i32
      %mul3A_108 = arith.muli %add3A_106, %mul3A_107 : i32
      %add3A_109 = arith.constant 0 : i32
      %add3A_110 = arith.addi %mul3A_108, %add3A_109 : i32
      %dma_start3A_111 = arith.constant 1 : i32
      %dma_start3A_112 = arith.constant 0 : i32
      %dma_start3A_113 = tpu.memref_slice %arg10[%dma_start3A_111, %dma_start3A_112] : memref<4x128xi32, #tpu.memory_space<vmem>> -> memref<1x128xi32, #tpu.memory_space<vmem>>
      %dma_start3A_114 = tpu.memref_squeeze %dma_start3A_113 : memref<1x128xi32, #tpu.memory_space<vmem>> -> memref<128xi32, #tpu.memory_space<vmem>>
      %dma_start3A_115 = arith.constant 0 : i32
      %dma_start3A_116 = arith.constant 0 : i32
      %dma_start3A_117 = tpu.memref_slice %arg2[%dma_start3A_115, %dma_start3A_116] : memref<10240x128xf32, #tpu.memory_space<hbm>> -> memref<10240x128xf32, #tpu.memory_space<hbm>>
      tpu.enqueue_indirect_dma source(%dma_start3A_117 : memref<10240x128xf32, #tpu.memory_space<hbm>>) target(%arg12 : memref<128x128xf32, #tpu.memory_space<vmem>>) offsets(%dma_start3A_114 : memref<128xi32, #tpu.memory_space<vmem>>) semaphore(%arg16 : memref<!tpu.dma_semaphore, #tpu.memory_space<semaphore_mem>>)
      %dma_wait3A_118 = arith.constant 0 : i32
      %dma_wait3A_119 = arith.constant 0 : i32
      %dma_wait3A_120 = tpu.memref_slice %arg10[%dma_wait3A_118, %dma_wait3A_119] : memref<4x128xi32, #tpu.memory_space<vmem>> -> memref<1x128xi32, #tpu.memory_space<vmem>>
      %dma_wait3A_121 = tpu.memref_squeeze %dma_wait3A_120 : memref<1x128xi32, #tpu.memory_space<vmem>> -> memref<128xi32, #tpu.memory_space<vmem>>
      %dma_wait3A_122 = arith.constant 0 : i32
      %dma_wait3A_123 = arith.constant 0 : i32
      %dma_wait3A_124 = tpu.memref_slice %arg2[%dma_wait3A_122, %dma_wait3A_123] : memref<10240x128xf32, #tpu.memory_space<hbm>> -> memref<10240x128xf32, #tpu.memory_space<hbm>>
      tpu.wait_indirect_dma semaphore(%arg15 : memref<!tpu.dma_semaphore, #tpu.memory_space<semaphore_mem>>) src(%dma_wait3A_124 : memref<10240x128xf32, #tpu.memory_space<hbm>>) dst(%arg11 : memref<128x128xf32, #tpu.memory_space<vmem>>)
      "tpu.region"() ({
        %run_scoped3A = tpu.sem_alloc : memref<!tpu.dma_semaphore, #tpu.memory_space<semaphore_mem>>
        %dma_start3A_186 = arith.constant 0 : i32
        %dma_start3A_187 = tpu.memref_slice %arg8[%add3A_110, %dma_start3A_186] : memref<80x128xi32, #tpu.memory_space<vmem>> -> memref<1x128xi32, #tpu.memory_space<vmem>>
        %dma_start3A_188 = tpu.memref_squeeze %dma_start3A_187 : memref<1x128xi32, #tpu.memory_space<vmem>> -> memref<128xi32, #tpu.memory_space<vmem>>
        %dma_start3A_189 = arith.constant 0 : i32
        %dma_start3A_190 = arith.constant 0 : i32
        %dma_start3A_191 = tpu.memref_slice %arg7[%dma_start3A_189, %dma_start3A_190] : memref<10240x128xf32, #tpu.memory_space<vmem_shared>> -> memref<10240x128xf32, #tpu.memory_space<vmem_shared>>
        tpu.enqueue_indirect_dma source(%arg11 : memref<128x128xf32, #tpu.memory_space<vmem>>) target(%dma_start3A_191 : memref<10240x128xf32, #tpu.memory_space<vmem_shared>>) offsets(%dma_start3A_188 : memref<128xi32, #tpu.memory_space<vmem>>) semaphore(%run_scoped3A : memref<!tpu.dma_semaphore, #tpu.memory_space<semaphore_mem>>) {add = true}
        %dma_wait3A_192 = arith.constant 0 : i32
        %dma_wait3A_193 = tpu.memref_slice %arg8[%add3A_110, %dma_wait3A_192] : memref<80x128xi32, #tpu.memory_space<vmem>> -> memref<1x128xi32, #tpu.memory_space<vmem>>
        %dma_wait3A_194 = tpu.memref_squeeze %dma_wait3A_193 : memref<1x128xi32, #tpu.memory_space<vmem>> -> memref<128xi32, #tpu.memory_space<vmem>>
        %dma_wait3A_195 = arith.constant 0 : i32
        %dma_wait3A_196 = arith.constant 0 : i32
        %dma_wait3A_197 = tpu.memref_slice %arg7[%dma_wait3A_195, %dma_wait3A_196] : memref<10240x128xf32, #tpu.memory_space<vmem_shared>> -> memref<10240x128xf32, #tpu.memory_space<vmem_shared>>
        tpu.wait_indirect_dma semaphore(%run_scoped3A : memref<!tpu.dma_semaphore, #tpu.memory_space<semaphore_mem>>) src(%arg11 : memref<128x128xf32, #tpu.memory_space<vmem>>) dst(%dma_wait3A_197 : memref<10240x128xf32, #tpu.memory_space<vmem_shared>>)
        tpu.yield
      }) : () -> ()
      %mul3A_125 = arith.constant 4 : i32
      %mul3A_126 = arith.muli %add3A_106, %mul3A_125 : i32
      %add3A_127 = arith.constant 1 : i32
      %add3A_128 = arith.addi %mul3A_126, %add3A_127 : i32
      %dma_start3A_129 = arith.constant 2 : i32
      %dma_start3A_130 = arith.constant 0 : i32
      %dma_start3A_131 = tpu.memref_slice %arg10[%dma_start3A_129, %dma_start3A_130] : memref<4x128xi32, #tpu.memory_space<vmem>> -> memref<1x128xi32, #tpu.memory_space<vmem>>
      %dma_start3A_132 = tpu.memref_squeeze %dma_start3A_131 : memref<1x128xi32, #tpu.memory_space<vmem>> -> memref<128xi32, #tpu.memory_space<vmem>>
      %dma_start3A_133 = arith.constant 0 : i32
      %dma_start3A_134 = arith.constant 0 : i32
      %dma_start3A_135 = tpu.memref_slice %arg2[%dma_start3A_133, %dma_start3A_134] : memref<10240x128xf32, #tpu.memory_space<hbm>> -> memref<10240x128xf32, #tpu.memory_space<hbm>>
      tpu.enqueue_indirect_dma source(%dma_start3A_135 : memref<10240x128xf32, #tpu.memory_space<hbm>>) target(%arg11 : memref<128x128xf32, #tpu.memory_space<vmem>>) offsets(%dma_start3A_132 : memref<128xi32, #tpu.memory_space<vmem>>) semaphore(%arg15 : memref<!tpu.dma_semaphore, #tpu.memory_space<semaphore_mem>>)
      %dma_wait3A_136 = arith.constant 0 : i32
      %dma_wait3A_137 = arith.constant 0 : i32
      %dma_wait3A_138 = tpu.memref_slice %arg10[%dma_wait3A_136, %dma_wait3A_137] : memref<4x128xi32, #tpu.memory_space<vmem>> -> memref<1x128xi32, #tpu.memory_space<vmem>>
      %dma_wait3A_139 = tpu.memref_squeeze %dma_wait3A_138 : memref<1x128xi32, #tpu.memory_space<vmem>> -> memref<128xi32, #tpu.memory_space<vmem>>
      %dma_wait3A_140 = arith.constant 0 : i32
      %dma_wait3A_141 = arith.constant 0 : i32
      %dma_wait3A_142 = tpu.memref_slice %arg2[%dma_wait3A_140, %dma_wait3A_141] : memref<10240x128xf32, #tpu.memory_space<hbm>> -> memref<10240x128xf32, #tpu.memory_space<hbm>>
      tpu.wait_indirect_dma semaphore(%arg16 : memref<!tpu.dma_semaphore, #tpu.memory_space<semaphore_mem>>) src(%dma_wait3A_142 : memref<10240x128xf32, #tpu.memory_space<hbm>>) dst(%arg12 : memref<128x128xf32, #tpu.memory_space<vmem>>)
      "tpu.region"() ({
        %run_scoped3A = tpu.sem_alloc : memref<!tpu.dma_semaphore, #tpu.memory_space<semaphore_mem>>
        %dma_start3A_186 = arith.constant 0 : i32
        %dma_start3A_187 = tpu.memref_slice %arg8[%add3A_128, %dma_start3A_186] : memref<80x128xi32, #tpu.memory_space<vmem>> -> memref<1x128xi32, #tpu.memory_space<vmem>>
        %dma_start3A_188 = tpu.memref_squeeze %dma_start3A_187 : memref<1x128xi32, #tpu.memory_space<vmem>> -> memref<128xi32, #tpu.memory_space<vmem>>
        %dma_start3A_189 = arith.constant 0 : i32
        %dma_start3A_190 = arith.constant 0 : i32
        %dma_start3A_191 = tpu.memref_slice %arg7[%dma_start3A_189, %dma_start3A_190] : memref<10240x128xf32, #tpu.memory_space<vmem_shared>> -> memref<10240x128xf32, #tpu.memory_space<vmem_shared>>
        tpu.enqueue_indirect_dma source(%arg12 : memref<128x128xf32, #tpu.memory_space<vmem>>) target(%dma_start3A_191 : memref<10240x128xf32, #tpu.memory_space<vmem_shared>>) offsets(%dma_start3A_188 : memref<128xi32, #tpu.memory_space<vmem>>) semaphore(%run_scoped3A : memref<!tpu.dma_semaphore, #tpu.memory_space<semaphore_mem>>) {add = true}
        %dma_wait3A_192 = arith.constant 0 : i32
        %dma_wait3A_193 = tpu.memref_slice %arg8[%add3A_128, %dma_wait3A_192] : memref<80x128xi32, #tpu.memory_space<vmem>> -> memref<1x128xi32, #tpu.memory_space<vmem>>
        %dma_wait3A_194 = tpu.memref_squeeze %dma_wait3A_193 : memref<1x128xi32, #tpu.memory_space<vmem>> -> memref<128xi32, #tpu.memory_space<vmem>>
        %dma_wait3A_195 = arith.constant 0 : i32
        %dma_wait3A_196 = arith.constant 0 : i32
        %dma_wait3A_197 = tpu.memref_slice %arg7[%dma_wait3A_195, %dma_wait3A_196] : memref<10240x128xf32, #tpu.memory_space<vmem_shared>> -> memref<10240x128xf32, #tpu.memory_space<vmem_shared>>
        tpu.wait_indirect_dma semaphore(%run_scoped3A : memref<!tpu.dma_semaphore, #tpu.memory_space<semaphore_mem>>) src(%arg12 : memref<128x128xf32, #tpu.memory_space<vmem>>) dst(%dma_wait3A_197 : memref<10240x128xf32, #tpu.memory_space<vmem_shared>>)
        tpu.yield
      }) : () -> ()
      %mul3A_143 = arith.constant 4 : i32
      %mul3A_144 = arith.muli %add3A_106, %mul3A_143 : i32
      %add3A_145 = arith.constant 2 : i32
      %add3A_146 = arith.addi %mul3A_144, %add3A_145 : i32
      %dma_start3A_147 = arith.constant 3 : i32
      %dma_start3A_148 = arith.constant 0 : i32
      %dma_start3A_149 = tpu.memref_slice %arg10[%dma_start3A_147, %dma_start3A_148] : memref<4x128xi32, #tpu.memory_space<vmem>> -> memref<1x128xi32, #tpu.memory_space<vmem>>
      %dma_start3A_150 = tpu.memref_squeeze %dma_start3A_149 : memref<1x128xi32, #tpu.memory_space<vmem>> -> memref<128xi32, #tpu.memory_space<vmem>>
      %dma_start3A_151 = arith.constant 0 : i32
      %dma_start3A_152 = arith.constant 0 : i32
      %dma_start3A_153 = tpu.memref_slice %arg2[%dma_start3A_151, %dma_start3A_152] : memref<10240x128xf32, #tpu.memory_space<hbm>> -> memref<10240x128xf32, #tpu.memory_space<hbm>>
      tpu.enqueue_indirect_dma source(%dma_start3A_153 : memref<10240x128xf32, #tpu.memory_space<hbm>>) target(%arg12 : memref<128x128xf32, #tpu.memory_space<vmem>>) offsets(%dma_start3A_150 : memref<128xi32, #tpu.memory_space<vmem>>) semaphore(%arg16 : memref<!tpu.dma_semaphore, #tpu.memory_space<semaphore_mem>>)
      %dma_wait3A_154 = arith.constant 0 : i32
      %dma_wait3A_155 = arith.constant 0 : i32
      %dma_wait3A_156 = tpu.memref_slice %arg10[%dma_wait3A_154, %dma_wait3A_155] : memref<4x128xi32, #tpu.memory_space<vmem>> -> memref<1x128xi32, #tpu.memory_space<vmem>>
      %dma_wait3A_157 = tpu.memref_squeeze %dma_wait3A_156 : memref<1x128xi32, #tpu.memory_space<vmem>> -> memref<128xi32, #tpu.memory_space<vmem>>
      %dma_wait3A_158 = arith.constant 0 : i32
      %dma_wait3A_159 = arith.constant 0 : i32
      %dma_wait3A_160 = tpu.memref_slice %arg2[%dma_wait3A_158, %dma_wait3A_159] : memref<10240x128xf32, #tpu.memory_space<hbm>> -> memref<10240x128xf32, #tpu.memory_space<hbm>>
      tpu.wait_indirect_dma semaphore(%arg15 : memref<!tpu.dma_semaphore, #tpu.memory_space<semaphore_mem>>) src(%dma_wait3A_160 : memref<10240x128xf32, #tpu.memory_space<hbm>>) dst(%arg11 : memref<128x128xf32, #tpu.memory_space<vmem>>)
      "tpu.region"() ({
        %run_scoped3A = tpu.sem_alloc : memref<!tpu.dma_semaphore, #tpu.memory_space<semaphore_mem>>
        %dma_start3A_186 = arith.constant 0 : i32
        %dma_start3A_187 = tpu.memref_slice %arg8[%add3A_146, %dma_start3A_186] : memref<80x128xi32, #tpu.memory_space<vmem>> -> memref<1x128xi32, #tpu.memory_space<vmem>>
        %dma_start3A_188 = tpu.memref_squeeze %dma_start3A_187 : memref<1x128xi32, #tpu.memory_space<vmem>> -> memref<128xi32, #tpu.memory_space<vmem>>
        %dma_start3A_189 = arith.constant 0 : i32
        %dma_start3A_190 = arith.constant 0 : i32
        %dma_start3A_191 = tpu.memref_slice %arg7[%dma_start3A_189, %dma_start3A_190] : memref<10240x128xf32, #tpu.memory_space<vmem_shared>> -> memref<10240x128xf32, #tpu.memory_space<vmem_shared>>
        tpu.enqueue_indirect_dma source(%arg11 : memref<128x128xf32, #tpu.memory_space<vmem>>) target(%dma_start3A_191 : memref<10240x128xf32, #tpu.memory_space<vmem_shared>>) offsets(%dma_start3A_188 : memref<128xi32, #tpu.memory_space<vmem>>) semaphore(%run_scoped3A : memref<!tpu.dma_semaphore, #tpu.memory_space<semaphore_mem>>) {add = true}
        %dma_wait3A_192 = arith.constant 0 : i32
        %dma_wait3A_193 = tpu.memref_slice %arg8[%add3A_146, %dma_wait3A_192] : memref<80x128xi32, #tpu.memory_space<vmem>> -> memref<1x128xi32, #tpu.memory_space<vmem>>
        %dma_wait3A_194 = tpu.memref_squeeze %dma_wait3A_193 : memref<1x128xi32, #tpu.memory_space<vmem>> -> memref<128xi32, #tpu.memory_space<vmem>>
        %dma_wait3A_195 = arith.constant 0 : i32
        %dma_wait3A_196 = arith.constant 0 : i32
        %dma_wait3A_197 = tpu.memref_slice %arg7[%dma_wait3A_195, %dma_wait3A_196] : memref<10240x128xf32, #tpu.memory_space<vmem_shared>> -> memref<10240x128xf32, #tpu.memory_space<vmem_shared>>
        tpu.wait_indirect_dma semaphore(%run_scoped3A : memref<!tpu.dma_semaphore, #tpu.memory_space<semaphore_mem>>) src(%arg11 : memref<128x128xf32, #tpu.memory_space<vmem>>) dst(%dma_wait3A_197 : memref<10240x128xf32, #tpu.memory_space<vmem_shared>>)
        tpu.yield
      }) : () -> ()
      %mul3A_161 = arith.constant 4 : i32
      %mul3A_162 = arith.muli %add3A_106, %mul3A_161 : i32
      %add3A_163 = arith.constant 3 : i32
      %add3A_164 = arith.addi %mul3A_162, %add3A_163 : i32
      %add3A_165 = arith.constant 1 : i32
      %add3A_166 = arith.addi %add3A_106, %add3A_165 : i32
      %lt3A_167 = arith.constant 20 : i32
      %lt3A_168 = arith.cmpi slt, %add3A_166, %lt3A_167 : i32
      %convert_element_type3A_169 = arith.extui %lt3A_168 : i1 to i32
      %cond3A_170 = arith.constant 0 : i32
      %cond3A_171 = arith.cmpi ne, %convert_element_type3A_169, %cond3A_170 : i32
      scf.if %cond3A_171 {
        %dma_wait3A_186 = arith.constant 0 : i32
        %dma_wait3A_187 = arith.constant 0 : i32
        %dma_wait3A_188 = tpu.memref_slice %arg3[%add3A, %dma_wait3A_186, %dma_wait3A_187] : memref<32x80x128xi32, #tpu.memory_space<hbm>> -> memref<1x4x128xi32, #tpu.memory_space<hbm>>
        %dma_wait3A_189 = tpu.memref_squeeze %dma_wait3A_188 : memref<1x4x128xi32, #tpu.memory_space<hbm>> -> memref<4x128xi32, #tpu.memory_space<hbm>>
        %dma_wait3A_190 = arith.constant 0 : i32
        %dma_wait3A_191 = arith.constant 0 : i32
        %dma_wait3A_192 = tpu.memref_slice %arg3[%add3A, %dma_wait3A_190, %dma_wait3A_191] : memref<32x80x128xi32, #tpu.memory_space<hbm>> -> memref<1x4x128xi32, #tpu.memory_space<hbm>>
        %dma_wait3A_193 = tpu.memref_squeeze %dma_wait3A_192 : memref<1x4x128xi32, #tpu.memory_space<hbm>> -> memref<4x128xi32, #tpu.memory_space<hbm>>
        tpu.wait_dma2 semaphore(%arg13 : memref<!tpu.dma_semaphore, #tpu.memory_space<semaphore_mem>>) src(%dma_wait3A_193 : memref<4x128xi32, #tpu.memory_space<hbm>>) dst(%arg9 : memref<4x128xi32, #tpu.memory_space<vmem>>)
        %dma_start3A_194 = arith.constant 0 : i32
        %dma_start3A_195 = arith.constant 0 : i32
        %dma_start3A_196 = tpu.memref_slice %arg9[%dma_start3A_194, %dma_start3A_195] : memref<4x128xi32, #tpu.memory_space<vmem>> -> memref<1x128xi32, #tpu.memory_space<vmem>>
        %dma_start3A_197 = tpu.memref_squeeze %dma_start3A_196 : memref<1x128xi32, #tpu.memory_space<vmem>> -> memref<128xi32, #tpu.memory_space<vmem>>
        %dma_start3A_198 = arith.constant 0 : i32
        %dma_start3A_199 = arith.constant 0 : i32
        %dma_start3A_200 = tpu.memref_slice %arg2[%dma_start3A_198, %dma_start3A_199] : memref<10240x128xf32, #tpu.memory_space<hbm>> -> memref<10240x128xf32, #tpu.memory_space<hbm>>
        tpu.enqueue_indirect_dma source(%dma_start3A_200 : memref<10240x128xf32, #tpu.memory_space<hbm>>) target(%arg11 : memref<128x128xf32, #tpu.memory_space<vmem>>) offsets(%dma_start3A_197 : memref<128xi32, #tpu.memory_space<vmem>>) semaphore(%arg15 : memref<!tpu.dma_semaphore, #tpu.memory_space<semaphore_mem>>)
      } else {
      }
      %dma_wait3A_172 = arith.constant 0 : i32
      %dma_wait3A_173 = arith.constant 0 : i32
      %dma_wait3A_174 = tpu.memref_slice %arg10[%dma_wait3A_172, %dma_wait3A_173] : memref<4x128xi32, #tpu.memory_space<vmem>> -> memref<1x128xi32, #tpu.memory_space<vmem>>
      %dma_wait3A_175 = tpu.memref_squeeze %dma_wait3A_174 : memref<1x128xi32, #tpu.memory_space<vmem>> -> memref<128xi32, #tpu.memory_space<vmem>>
      %dma_wait3A_176 = arith.constant 0 : i32
      %dma_wait3A_177 = arith.constant 0 : i32
      %dma_wait3A_178 = tpu.memref_slice %arg2[%dma_wait3A_176, %dma_wait3A_177] : memref<10240x128xf32, #tpu.memory_space<hbm>> -> memref<10240x128xf32, #tpu.memory_space<hbm>>
      tpu.wait_indirect_dma semaphore(%arg16 : memref<!tpu.dma_semaphore, #tpu.memory_space<semaphore_mem>>) src(%dma_wait3A_178 : memref<10240x128xf32, #tpu.memory_space<hbm>>) dst(%arg12 : memref<128x128xf32, #tpu.memory_space<vmem>>)
      "tpu.region"() ({
        %run_scoped3A = tpu.sem_alloc : memref<!tpu.dma_semaphore, #tpu.memory_space<semaphore_mem>>
        %dma_start3A_186 = arith.constant 0 : i32
        %dma_start3A_187 = tpu.memref_slice %arg8[%add3A_164, %dma_start3A_186] : memref<80x128xi32, #tpu.memory_space<vmem>> -> memref<1x128xi32, #tpu.memory_space<vmem>>
        %dma_start3A_188 = tpu.memref_squeeze %dma_start3A_187 : memref<1x128xi32, #tpu.memory_space<vmem>> -> memref<128xi32, #tpu.memory_space<vmem>>
        %dma_start3A_189 = arith.constant 0 : i32
        %dma_start3A_190 = arith.constant 0 : i32
        %dma_start3A_191 = tpu.memref_slice %arg7[%dma_start3A_189, %dma_start3A_190] : memref<10240x128xf32, #tpu.memory_space<vmem_shared>> -> memref<10240x128xf32, #tpu.memory_space<vmem_shared>>
        tpu.enqueue_indirect_dma source(%arg12 : memref<128x128xf32, #tpu.memory_space<vmem>>) target(%dma_start3A_191 : memref<10240x128xf32, #tpu.memory_space<vmem_shared>>) offsets(%dma_start3A_188 : memref<128xi32, #tpu.memory_space<vmem>>) semaphore(%run_scoped3A : memref<!tpu.dma_semaphore, #tpu.memory_space<semaphore_mem>>) {add = true}
        %dma_wait3A_192 = arith.constant 0 : i32
        %dma_wait3A_193 = tpu.memref_slice %arg8[%add3A_164, %dma_wait3A_192] : memref<80x128xi32, #tpu.memory_space<vmem>> -> memref<1x128xi32, #tpu.memory_space<vmem>>
        %dma_wait3A_194 = tpu.memref_squeeze %dma_wait3A_193 : memref<1x128xi32, #tpu.memory_space<vmem>> -> memref<128xi32, #tpu.memory_space<vmem>>
        %dma_wait3A_195 = arith.constant 0 : i32
        %dma_wait3A_196 = arith.constant 0 : i32
        %dma_wait3A_197 = tpu.memref_slice %arg7[%dma_wait3A_195, %dma_wait3A_196] : memref<10240x128xf32, #tpu.memory_space<vmem_shared>> -> memref<10240x128xf32, #tpu.memory_space<vmem_shared>>
        tpu.wait_indirect_dma semaphore(%run_scoped3A : memref<!tpu.dma_semaphore, #tpu.memory_space<semaphore_mem>>) src(%arg12 : memref<128x128xf32, #tpu.memory_space<vmem>>) dst(%dma_wait3A_197 : memref<10240x128xf32, #tpu.memory_space<vmem_shared>>)
        tpu.yield
      }) : () -> ()
      %add3A_179 = arith.constant 2 : i32
      %add3A_180 = arith.addi %add3A_106, %add3A_179 : i32
      %lt3A_181 = arith.constant 20 : i32
      %lt3A_182 = arith.cmpi slt, %add3A_180, %lt3A_181 : i32
      %convert_element_type3A_183 = arith.extui %lt3A_182 : i1 to i32
      %cond3A_184 = arith.constant 0 : i32
      %cond3A_185 = arith.cmpi ne, %convert_element_type3A_183, %cond3A_184 : i32
      scf.if %cond3A_185 {
        %add3A_186 = arith.constant 2 : i32
        %add3A_187 = arith.addi %add3A_106, %add3A_186 : i32
        %mul3A_188 = arith.constant 4 : i32
        %mul3A_189 = arith.muli %add3A_187, %mul3A_188 : i32
        %dma_start3A_190 = arith.constant 0 : i32
        %dma_start3A_191 = tpu.memref_slice %arg3[%add3A, %mul3A_189, %dma_start3A_190] : memref<32x80x128xi32, #tpu.memory_space<hbm>> -> memref<1x4x128xi32, #tpu.memory_space<hbm>>
        %dma_start3A_192 = tpu.memref_squeeze %dma_start3A_191 : memref<1x4x128xi32, #tpu.memory_space<hbm>> -> memref<4x128xi32, #tpu.memory_space<hbm>>
        %dma_start3A_193 = arith.constant 0 : i32
        %dma_start3A_194 = tpu.memref_slice %arg3[%add3A, %mul3A_189, %dma_start3A_193] : memref<32x80x128xi32, #tpu.memory_space<hbm>> -> memref<1x4x128xi32, #tpu.memory_space<hbm>>
        %dma_start3A_195 = tpu.memref_squeeze %dma_start3A_194 : memref<1x4x128xi32, #tpu.memory_space<hbm>> -> memref<4x128xi32, #tpu.memory_space<hbm>>
        tpu.enqueue_dma source(%dma_start3A_195 : memref<4x128xi32, #tpu.memory_space<hbm>>) target(%arg10 : memref<4x128xi32, #tpu.memory_space<vmem>>) target_semaphore(%arg14 : memref<!tpu.dma_semaphore, #tpu.memory_space<semaphore_mem>>)
      } else {
      }
    }
    %scan3A_21 = arith.constant 10 : i32
    %barrier3A_22 = arith.constant 0 : index
    tpu.barrier barrier_id(%barrier3A_22)
    "tpu.region"() ({
      %run_scoped3A = tpu.sem_alloc : memref<!tpu.dma_semaphore, #tpu.memory_space<semaphore_mem>>
      %dma_start3A_23 = arith.constant 0 : i32
      %dma_start3A_24 = tpu.memref_slice %arg6[%arg0, %mul3A_2, %dma_start3A_23] : memref<2x10240x128xf32, #tpu.memory_space<hbm>> -> memref<1x640x128xf32, #tpu.memory_space<hbm>>
      %dma_start3A_25 = tpu.memref_squeeze %dma_start3A_24 : memref<1x640x128xf32, #tpu.memory_space<hbm>> -> memref<640x128xf32, #tpu.memory_space<hbm>>
      %dma_start3A_26 = arith.constant 0 : i32
      %dma_start3A_27 = tpu.memref_slice %arg7[%mul3A_2, %dma_start3A_26] : memref<10240x128xf32, #tpu.memory_space<vmem_shared>> -> memref<640x128xf32, #tpu.memory_space<vmem_shared>>
      tpu.enqueue_dma source(%dma_start3A_27 : memref<640x128xf32, #tpu.memory_space<vmem_shared>>) target(%dma_start3A_25 : memref<640x128xf32, #tpu.memory_space<hbm>>) target_semaphore(%run_scoped3A : memref<!tpu.dma_semaphore, #tpu.memory_space<semaphore_mem>>)
      %dma_wait3A = arith.constant 0 : i32
      %dma_wait3A_28 = tpu.memref_slice %arg6[%arg0, %mul3A_2, %dma_wait3A] : memref<2x10240x128xf32, #tpu.memory_space<hbm>> -> memref<1x640x128xf32, #tpu.memory_space<hbm>>
      %dma_wait3A_29 = tpu.memref_squeeze %dma_wait3A_28 : memref<1x640x128xf32, #tpu.memory_space<hbm>> -> memref<640x128xf32, #tpu.memory_space<hbm>>
      %dma_wait3A_30 = arith.constant 0 : i32
      %dma_wait3A_31 = tpu.memref_slice %arg7[%mul3A_2, %dma_wait3A_30] : memref<10240x128xf32, #tpu.memory_space<vmem_shared>> -> memref<640x128xf32, #tpu.memory_space<vmem_shared>>
      tpu.wait_dma2 semaphore(%run_scoped3A : memref<!tpu.dma_semaphore, #tpu.memory_space<semaphore_mem>>) src(%dma_wait3A_31 : memref<640x128xf32, #tpu.memory_space<vmem_shared>>) dst(%dma_wait3A_29 : memref<640x128xf32, #tpu.memory_space<hbm>>)
      tpu.yield
    }) : () -> ()
    return
  }
}

#map = affine_map<(d0, d1) -> (0, 0)>
#map1 = affine_map<(d0, d1) -> (0, 0, 0)>
module attributes {stable_mosaic.version = 14 : i64} {
  func.func @_sc_edge_agg(%arg0: i32, %arg1: i32, %arg2: memref<10240x128xf32, #tpu.memory_space<hbm>>, %arg3: memref<32x80x128xi32, #tpu.memory_space<hbm>>, %arg4: memref<32x80x128xi32, #tpu.memory_space<hbm>>, %arg5: memref<640x128xf32, #tpu.memory_space<hbm>>, %arg6: memref<2x10240x128xf32, #tpu.memory_space<hbm>>, %arg7: memref<10240x128xf32, #tpu.memory_space<vmem_shared>>, %arg8: memref<80x128xi32, #tpu.memory_space<vmem>>, %arg9: memref<4x128xi32, #tpu.memory_space<vmem>>, %arg10: memref<4x128xi32, #tpu.memory_space<vmem>>, %arg11: memref<128x128xf32, #tpu.memory_space<vmem>>, %arg12: memref<128x128xf32, #tpu.memory_space<vmem>>, %arg13: memref<!tpu.dma_semaphore, #tpu.memory_space<semaphore_mem>>, %arg14: memref<!tpu.dma_semaphore, #tpu.memory_space<semaphore_mem>>, %arg15: memref<!tpu.dma_semaphore, #tpu.memory_space<semaphore_mem>>, %arg16: memref<!tpu.dma_semaphore, #tpu.memory_space<semaphore_mem>>) attributes {dimension_semantics = [#tpu.dimension_semantics<core_parallel>, #tpu.dimension_semantics<subcore_parallel>], iteration_bounds = array<i64: 2, 16>, scalar_prefetch = 0 : i64, scratch_operands = 10 : i64, tpu.core_type = #tpu.core_type<sc_vector_subcore>, window_params = [{transform_indices = #map}, {transform_indices = #map1}, {transform_indices = #map1}, {transform_indices = #map}, {transform_indices = #map1}]} {
    %mul3A = arith.constant 2 : i32
    %mul3A_0 = arith.muli %arg1, %mul3A : i32
    %add3A = arith.addi %mul3A_0, %arg0 : i32
    %mul3A_1 = arith.constant 640 : i32
    %mul3A_2 = arith.muli %arg1, %mul3A_1 : i32
    "tpu.region"() ({
      %run_scoped3A = tpu.sem_alloc : memref<!tpu.dma_semaphore, #tpu.memory_space<semaphore_mem>>
      %dma_start3A_23 = arith.constant 0 : i32
      %dma_start3A_24 = tpu.memref_slice %arg7[%mul3A_2, %dma_start3A_23] : memref<10240x128xf32, #tpu.memory_space<vmem_shared>> -> memref<640x128xf32, #tpu.memory_space<vmem_shared>>
      tpu.enqueue_dma source(%arg5 : memref<640x128xf32, #tpu.memory_space<hbm>>) target(%dma_start3A_24 : memref<640x128xf32, #tpu.memory_space<vmem_shared>>) target_semaphore(%run_scoped3A : memref<!tpu.dma_semaphore, #tpu.memory_space<semaphore_mem>>)
      %dma_wait3A = arith.constant 0 : i32
      %dma_wait3A_25 = tpu.memref_slice %arg7[%mul3A_2, %dma_wait3A] : memref<10240x128xf32, #tpu.memory_space<vmem_shared>> -> memref<640x128xf32, #tpu.memory_space<vmem_shared>>
      tpu.wait_dma2 semaphore(%run_scoped3A : memref<!tpu.dma_semaphore, #tpu.memory_space<semaphore_mem>>) src(%arg5 : memref<640x128xf32, #tpu.memory_space<hbm>>) dst(%dma_wait3A_25 : memref<640x128xf32, #tpu.memory_space<vmem_shared>>)
      tpu.yield
    }) : () -> ()
    "tpu.region"() ({
      %run_scoped3A = tpu.sem_alloc : memref<!tpu.dma_semaphore, #tpu.memory_space<semaphore_mem>>
      %dma_start3A_23 = arith.constant 0 : i32
      %dma_start3A_24 = arith.constant 0 : i32
      %dma_start3A_25 = tpu.memref_slice %arg4[%add3A, %dma_start3A_23, %dma_start3A_24] : memref<32x80x128xi32, #tpu.memory_space<hbm>> -> memref<1x80x128xi32, #tpu.memory_space<hbm>>
      %dma_start3A_26 = tpu.memref_squeeze %dma_start3A_25 : memref<1x80x128xi32, #tpu.memory_space<hbm>> -> memref<80x128xi32, #tpu.memory_space<hbm>>
      %dma_start3A_27 = arith.constant 0 : i32
      %dma_start3A_28 = arith.constant 0 : i32
      %dma_start3A_29 = tpu.memref_slice %arg4[%add3A, %dma_start3A_27, %dma_start3A_28] : memref<32x80x128xi32, #tpu.memory_space<hbm>> -> memref<1x80x128xi32, #tpu.memory_space<hbm>>
      %dma_start3A_30 = tpu.memref_squeeze %dma_start3A_29 : memref<1x80x128xi32, #tpu.memory_space<hbm>> -> memref<80x128xi32, #tpu.memory_space<hbm>>
      tpu.enqueue_dma source(%dma_start3A_30 : memref<80x128xi32, #tpu.memory_space<hbm>>) target(%arg8 : memref<80x128xi32, #tpu.memory_space<vmem>>) target_semaphore(%run_scoped3A : memref<!tpu.dma_semaphore, #tpu.memory_space<semaphore_mem>>)
      %dma_wait3A = arith.constant 0 : i32
      %dma_wait3A_31 = arith.constant 0 : i32
      %dma_wait3A_32 = tpu.memref_slice %arg4[%add3A, %dma_wait3A, %dma_wait3A_31] : memref<32x80x128xi32, #tpu.memory_space<hbm>> -> memref<1x80x128xi32, #tpu.memory_space<hbm>>
      %dma_wait3A_33 = tpu.memref_squeeze %dma_wait3A_32 : memref<1x80x128xi32, #tpu.memory_space<hbm>> -> memref<80x128xi32, #tpu.memory_space<hbm>>
      %dma_wait3A_34 = arith.constant 0 : i32
      %dma_wait3A_35 = arith.constant 0 : i32
      %dma_wait3A_36 = tpu.memref_slice %arg4[%add3A, %dma_wait3A_34, %dma_wait3A_35] : memref<32x80x128xi32, #tpu.memory_space<hbm>> -> memref<1x80x128xi32, #tpu.memory_space<hbm>>
      %dma_wait3A_37 = tpu.memref_squeeze %dma_wait3A_36 : memref<1x80x128xi32, #tpu.memory_space<hbm>> -> memref<80x128xi32, #tpu.memory_space<hbm>>
      tpu.wait_dma2 semaphore(%run_scoped3A : memref<!tpu.dma_semaphore, #tpu.memory_space<semaphore_mem>>) src(%dma_wait3A_37 : memref<80x128xi32, #tpu.memory_space<hbm>>) dst(%arg8 : memref<80x128xi32, #tpu.memory_space<vmem>>)
      tpu.yield
    }) : () -> ()
    "tpu.region"() ({
      %run_scoped3A = tpu.sem_alloc : memref<!tpu.dma_semaphore, #tpu.memory_space<semaphore_mem>>
      %dma_start3A_23 = arith.constant 0 : i32
      %dma_start3A_24 = arith.constant 0 : i32
      %dma_start3A_25 = tpu.memref_slice %arg3[%add3A, %dma_start3A_23, %dma_start3A_24] : memref<32x80x128xi32, #tpu.memory_space<hbm>> -> memref<1x4x128xi32, #tpu.memory_space<hbm>>
      %dma_start3A_26 = tpu.memref_squeeze %dma_start3A_25 : memref<1x4x128xi32, #tpu.memory_space<hbm>> -> memref<4x128xi32, #tpu.memory_space<hbm>>
      %dma_start3A_27 = arith.constant 0 : i32
      %dma_start3A_28 = arith.constant 0 : i32
      %dma_start3A_29 = tpu.memref_slice %arg3[%add3A, %dma_start3A_27, %dma_start3A_28] : memref<32x80x128xi32, #tpu.memory_space<hbm>> -> memref<1x4x128xi32, #tpu.memory_space<hbm>>
      %dma_start3A_30 = tpu.memref_squeeze %dma_start3A_29 : memref<1x4x128xi32, #tpu.memory_space<hbm>> -> memref<4x128xi32, #tpu.memory_space<hbm>>
      tpu.enqueue_dma source(%dma_start3A_30 : memref<4x128xi32, #tpu.memory_space<hbm>>) target(%arg9 : memref<4x128xi32, #tpu.memory_space<vmem>>) target_semaphore(%run_scoped3A : memref<!tpu.dma_semaphore, #tpu.memory_space<semaphore_mem>>)
      %dma_wait3A = arith.constant 0 : i32
      %dma_wait3A_31 = arith.constant 0 : i32
      %dma_wait3A_32 = tpu.memref_slice %arg3[%add3A, %dma_wait3A, %dma_wait3A_31] : memref<32x80x128xi32, #tpu.memory_space<hbm>> -> memref<1x4x128xi32, #tpu.memory_space<hbm>>
      %dma_wait3A_33 = tpu.memref_squeeze %dma_wait3A_32 : memref<1x4x128xi32, #tpu.memory_space<hbm>> -> memref<4x128xi32, #tpu.memory_space<hbm>>
      %dma_wait3A_34 = arith.constant 0 : i32
      %dma_wait3A_35 = arith.constant 0 : i32
      %dma_wait3A_36 = tpu.memref_slice %arg3[%add3A, %dma_wait3A_34, %dma_wait3A_35] : memref<32x80x128xi32, #tpu.memory_space<hbm>> -> memref<1x4x128xi32, #tpu.memory_space<hbm>>
      %dma_wait3A_37 = tpu.memref_squeeze %dma_wait3A_36 : memref<1x4x128xi32, #tpu.memory_space<hbm>> -> memref<4x128xi32, #tpu.memory_space<hbm>>
      tpu.wait_dma2 semaphore(%run_scoped3A : memref<!tpu.dma_semaphore, #tpu.memory_space<semaphore_mem>>) src(%dma_wait3A_37 : memref<4x128xi32, #tpu.memory_space<hbm>>) dst(%arg9 : memref<4x128xi32, #tpu.memory_space<vmem>>)
      tpu.yield
    }) : () -> ()
    %barrier3A = arith.constant 0 : index
    tpu.barrier barrier_id(%barrier3A)
    %dma_start3A = arith.constant 4 : i32
    %dma_start3A_3 = arith.constant 0 : i32
    %dma_start3A_4 = tpu.memref_slice %arg3[%add3A, %dma_start3A, %dma_start3A_3] : memref<32x80x128xi32, #tpu.memory_space<hbm>> -> memref<1x4x128xi32, #tpu.memory_space<hbm>>
    %dma_start3A_5 = tpu.memref_squeeze %dma_start3A_4 : memref<1x4x128xi32, #tpu.memory_space<hbm>> -> memref<4x128xi32, #tpu.memory_space<hbm>>
    %dma_start3A_6 = arith.constant 4 : i32
    %dma_start3A_7 = arith.constant 0 : i32
    %dma_start3A_8 = tpu.memref_slice %arg3[%add3A, %dma_start3A_6, %dma_start3A_7] : memref<32x80x128xi32, #tpu.memory_space<hbm>> -> memref<1x4x128xi32, #tpu.memory_space<hbm>>
    %dma_start3A_9 = tpu.memref_squeeze %dma_start3A_8 : memref<1x4x128xi32, #tpu.memory_space<hbm>> -> memref<4x128xi32, #tpu.memory_space<hbm>>
    tpu.enqueue_dma source(%dma_start3A_9 : memref<4x128xi32, #tpu.memory_space<hbm>>) target(%arg10 : memref<4x128xi32, #tpu.memory_space<vmem>>) target_semaphore(%arg14 : memref<!tpu.dma_semaphore, #tpu.memory_space<semaphore_mem>>)
    %dma_start3A_10 = arith.constant 0 : i32
    %dma_start3A_11 = arith.constant 0 : i32
    %dma_start3A_12 = tpu.memref_slice %arg9[%dma_start3A_10, %dma_start3A_11] : memref<4x128xi32, #tpu.memory_space<vmem>> -> memref<1x128xi32, #tpu.memory_space<vmem>>
    %dma_start3A_13 = tpu.memref_squeeze %dma_start3A_12 : memref<1x128xi32, #tpu.memory_space<vmem>> -> memref<128xi32, #tpu.memory_space<vmem>>
    %dma_start3A_14 = arith.constant 0 : i32
    %dma_start3A_15 = arith.constant 0 : i32
    %dma_start3A_16 = tpu.memref_slice %arg2[%dma_start3A_14, %dma_start3A_15] : memref<10240x128xf32, #tpu.memory_space<hbm>> -> memref<10240x128xf32, #tpu.memory_space<hbm>>
    tpu.enqueue_indirect_dma source(%dma_start3A_16 : memref<10240x128xf32, #tpu.memory_space<hbm>>) target(%arg11 : memref<128x128xf32, #tpu.memory_space<vmem>>) offsets(%dma_start3A_13 : memref<128xi32, #tpu.memory_space<vmem>>) semaphore(%arg15 : memref<!tpu.dma_semaphore, #tpu.memory_space<semaphore_mem>>)
    %scan3A = arith.constant 0 : i32
    %scan3A_17 = arith.constant 0 : i32
    %scan3A_18 = arith.constant 10 : i32
    %scan3A_19 = arith.addi %scan3A_17, %scan3A_18 : i32
    %scan3A_20 = arith.constant 1 : i32
    scf.for %scan3A_23 = %scan3A_17 to %scan3A_19 step %scan3A_20  : i32 {
      %mul3A_24 = arith.constant 2 : i32
      %mul3A_25 = arith.muli %mul3A_24, %scan3A_23 : i32
      %add3A_26 = arith.constant 0 : i32
      %add3A_27 = arith.addi %mul3A_25, %add3A_26 : i32
      %mul3A_28 = arith.constant 4 : i32
      %mul3A_29 = arith.muli %add3A_27, %mul3A_28 : i32
      %add3A_30 = arith.constant 0 : i32
      %add3A_31 = arith.addi %mul3A_29, %add3A_30 : i32
      %dma_start3A_32 = arith.constant 1 : i32
      %dma_start3A_33 = arith.constant 0 : i32
      %dma_start3A_34 = tpu.memref_slice %arg9[%dma_start3A_32, %dma_start3A_33] : memref<4x128xi32, #tpu.memory_space<vmem>> -> memref<1x128xi32, #tpu.memory_space<vmem>>
      %dma_start3A_35 = tpu.memref_squeeze %dma_start3A_34 : memref<1x128xi32, #tpu.memory_space<vmem>> -> memref<128xi32, #tpu.memory_space<vmem>>
      %dma_start3A_36 = arith.constant 0 : i32
      %dma_start3A_37 = arith.constant 0 : i32
      %dma_start3A_38 = tpu.memref_slice %arg2[%dma_start3A_36, %dma_start3A_37] : memref<10240x128xf32, #tpu.memory_space<hbm>> -> memref<10240x128xf32, #tpu.memory_space<hbm>>
      tpu.enqueue_indirect_dma source(%dma_start3A_38 : memref<10240x128xf32, #tpu.memory_space<hbm>>) target(%arg12 : memref<128x128xf32, #tpu.memory_space<vmem>>) offsets(%dma_start3A_35 : memref<128xi32, #tpu.memory_space<vmem>>) semaphore(%arg16 : memref<!tpu.dma_semaphore, #tpu.memory_space<semaphore_mem>>)
      %dma_wait3A = arith.constant 0 : i32
      %dma_wait3A_39 = arith.constant 0 : i32
      %dma_wait3A_40 = tpu.memref_slice %arg9[%dma_wait3A, %dma_wait3A_39] : memref<4x128xi32, #tpu.memory_space<vmem>> -> memref<1x128xi32, #tpu.memory_space<vmem>>
      %dma_wait3A_41 = tpu.memref_squeeze %dma_wait3A_40 : memref<1x128xi32, #tpu.memory_space<vmem>> -> memref<128xi32, #tpu.memory_space<vmem>>
      %dma_wait3A_42 = arith.constant 0 : i32
      %dma_wait3A_43 = arith.constant 0 : i32
      %dma_wait3A_44 = tpu.memref_slice %arg2[%dma_wait3A_42, %dma_wait3A_43] : memref<10240x128xf32, #tpu.memory_space<hbm>> -> memref<10240x128xf32, #tpu.memory_space<hbm>>
      tpu.wait_indirect_dma semaphore(%arg15 : memref<!tpu.dma_semaphore, #tpu.memory_space<semaphore_mem>>) src(%dma_wait3A_44 : memref<10240x128xf32, #tpu.memory_space<hbm>>) dst(%arg11 : memref<128x128xf32, #tpu.memory_space<vmem>>)
      "tpu.region"() ({
        %run_scoped3A = tpu.sem_alloc : memref<!tpu.dma_semaphore, #tpu.memory_space<semaphore_mem>>
        %dma_start3A_186 = arith.constant 0 : i32
        %dma_start3A_187 = tpu.memref_slice %arg8[%add3A_31, %dma_start3A_186] : memref<80x128xi32, #tpu.memory_space<vmem>> -> memref<1x128xi32, #tpu.memory_space<vmem>>
        %dma_start3A_188 = tpu.memref_squeeze %dma_start3A_187 : memref<1x128xi32, #tpu.memory_space<vmem>> -> memref<128xi32, #tpu.memory_space<vmem>>
        %dma_start3A_189 = arith.constant 0 : i32
        %dma_start3A_190 = arith.constant 0 : i32
        %dma_start3A_191 = tpu.memref_slice %arg7[%dma_start3A_189, %dma_start3A_190] : memref<10240x128xf32, #tpu.memory_space<vmem_shared>> -> memref<10240x128xf32, #tpu.memory_space<vmem_shared>>
        tpu.enqueue_indirect_dma source(%arg11 : memref<128x128xf32, #tpu.memory_space<vmem>>) target(%dma_start3A_191 : memref<10240x128xf32, #tpu.memory_space<vmem_shared>>) offsets(%dma_start3A_188 : memref<128xi32, #tpu.memory_space<vmem>>) semaphore(%run_scoped3A : memref<!tpu.dma_semaphore, #tpu.memory_space<semaphore_mem>>) {add = true}
        %dma_wait3A_192 = arith.constant 0 : i32
        %dma_wait3A_193 = tpu.memref_slice %arg8[%add3A_31, %dma_wait3A_192] : memref<80x128xi32, #tpu.memory_space<vmem>> -> memref<1x128xi32, #tpu.memory_space<vmem>>
        %dma_wait3A_194 = tpu.memref_squeeze %dma_wait3A_193 : memref<1x128xi32, #tpu.memory_space<vmem>> -> memref<128xi32, #tpu.memory_space<vmem>>
        %dma_wait3A_195 = arith.constant 0 : i32
        %dma_wait3A_196 = arith.constant 0 : i32
        %dma_wait3A_197 = tpu.memref_slice %arg7[%dma_wait3A_195, %dma_wait3A_196] : memref<10240x128xf32, #tpu.memory_space<vmem_shared>> -> memref<10240x128xf32, #tpu.memory_space<vmem_shared>>
        tpu.wait_indirect_dma semaphore(%run_scoped3A : memref<!tpu.dma_semaphore, #tpu.memory_space<semaphore_mem>>) src(%arg11 : memref<128x128xf32, #tpu.memory_space<vmem>>) dst(%dma_wait3A_197 : memref<10240x128xf32, #tpu.memory_space<vmem_shared>>)
        tpu.yield
      }) : () -> ()
      %mul3A_45 = arith.constant 4 : i32
      %mul3A_46 = arith.muli %add3A_27, %mul3A_45 : i32
      %add3A_47 = arith.constant 1 : i32
      %add3A_48 = arith.addi %mul3A_46, %add3A_47 : i32
      %dma_start3A_49 = arith.constant 2 : i32
      %dma_start3A_50 = arith.constant 0 : i32
      %dma_start3A_51 = tpu.memref_slice %arg9[%dma_start3A_49, %dma_start3A_50] : memref<4x128xi32, #tpu.memory_space<vmem>> -> memref<1x128xi32, #tpu.memory_space<vmem>>
      %dma_start3A_52 = tpu.memref_squeeze %dma_start3A_51 : memref<1x128xi32, #tpu.memory_space<vmem>> -> memref<128xi32, #tpu.memory_space<vmem>>
      %dma_start3A_53 = arith.constant 0 : i32
      %dma_start3A_54 = arith.constant 0 : i32
      %dma_start3A_55 = tpu.memref_slice %arg2[%dma_start3A_53, %dma_start3A_54] : memref<10240x128xf32, #tpu.memory_space<hbm>> -> memref<10240x128xf32, #tpu.memory_space<hbm>>
      tpu.enqueue_indirect_dma source(%dma_start3A_55 : memref<10240x128xf32, #tpu.memory_space<hbm>>) target(%arg11 : memref<128x128xf32, #tpu.memory_space<vmem>>) offsets(%dma_start3A_52 : memref<128xi32, #tpu.memory_space<vmem>>) semaphore(%arg15 : memref<!tpu.dma_semaphore, #tpu.memory_space<semaphore_mem>>)
      %dma_wait3A_56 = arith.constant 0 : i32
      %dma_wait3A_57 = arith.constant 0 : i32
      %dma_wait3A_58 = tpu.memref_slice %arg9[%dma_wait3A_56, %dma_wait3A_57] : memref<4x128xi32, #tpu.memory_space<vmem>> -> memref<1x128xi32, #tpu.memory_space<vmem>>
      %dma_wait3A_59 = tpu.memref_squeeze %dma_wait3A_58 : memref<1x128xi32, #tpu.memory_space<vmem>> -> memref<128xi32, #tpu.memory_space<vmem>>
      %dma_wait3A_60 = arith.constant 0 : i32
      %dma_wait3A_61 = arith.constant 0 : i32
      %dma_wait3A_62 = tpu.memref_slice %arg2[%dma_wait3A_60, %dma_wait3A_61] : memref<10240x128xf32, #tpu.memory_space<hbm>> -> memref<10240x128xf32, #tpu.memory_space<hbm>>
      tpu.wait_indirect_dma semaphore(%arg16 : memref<!tpu.dma_semaphore, #tpu.memory_space<semaphore_mem>>) src(%dma_wait3A_62 : memref<10240x128xf32, #tpu.memory_space<hbm>>) dst(%arg12 : memref<128x128xf32, #tpu.memory_space<vmem>>)
      "tpu.region"() ({
        %run_scoped3A = tpu.sem_alloc : memref<!tpu.dma_semaphore, #tpu.memory_space<semaphore_mem>>
        %dma_start3A_186 = arith.constant 0 : i32
        %dma_start3A_187 = tpu.memref_slice %arg8[%add3A_48, %dma_start3A_186] : memref<80x128xi32, #tpu.memory_space<vmem>> -> memref<1x128xi32, #tpu.memory_space<vmem>>
        %dma_start3A_188 = tpu.memref_squeeze %dma_start3A_187 : memref<1x128xi32, #tpu.memory_space<vmem>> -> memref<128xi32, #tpu.memory_space<vmem>>
        %dma_start3A_189 = arith.constant 0 : i32
        %dma_start3A_190 = arith.constant 0 : i32
        %dma_start3A_191 = tpu.memref_slice %arg7[%dma_start3A_189, %dma_start3A_190] : memref<10240x128xf32, #tpu.memory_space<vmem_shared>> -> memref<10240x128xf32, #tpu.memory_space<vmem_shared>>
        tpu.enqueue_indirect_dma source(%arg12 : memref<128x128xf32, #tpu.memory_space<vmem>>) target(%dma_start3A_191 : memref<10240x128xf32, #tpu.memory_space<vmem_shared>>) offsets(%dma_start3A_188 : memref<128xi32, #tpu.memory_space<vmem>>) semaphore(%run_scoped3A : memref<!tpu.dma_semaphore, #tpu.memory_space<semaphore_mem>>) {add = true}
        %dma_wait3A_192 = arith.constant 0 : i32
        %dma_wait3A_193 = tpu.memref_slice %arg8[%add3A_48, %dma_wait3A_192] : memref<80x128xi32, #tpu.memory_space<vmem>> -> memref<1x128xi32, #tpu.memory_space<vmem>>
        %dma_wait3A_194 = tpu.memref_squeeze %dma_wait3A_193 : memref<1x128xi32, #tpu.memory_space<vmem>> -> memref<128xi32, #tpu.memory_space<vmem>>
        %dma_wait3A_195 = arith.constant 0 : i32
        %dma_wait3A_196 = arith.constant 0 : i32
        %dma_wait3A_197 = tpu.memref_slice %arg7[%dma_wait3A_195, %dma_wait3A_196] : memref<10240x128xf32, #tpu.memory_space<vmem_shared>> -> memref<10240x128xf32, #tpu.memory_space<vmem_shared>>
        tpu.wait_indirect_dma semaphore(%run_scoped3A : memref<!tpu.dma_semaphore, #tpu.memory_space<semaphore_mem>>) src(%arg12 : memref<128x128xf32, #tpu.memory_space<vmem>>) dst(%dma_wait3A_197 : memref<10240x128xf32, #tpu.memory_space<vmem_shared>>)
        tpu.yield
      }) : () -> ()
      %mul3A_63 = arith.constant 4 : i32
      %mul3A_64 = arith.muli %add3A_27, %mul3A_63 : i32
      %add3A_65 = arith.constant 2 : i32
      %add3A_66 = arith.addi %mul3A_64, %add3A_65 : i32
      %dma_start3A_67 = arith.constant 3 : i32
      %dma_start3A_68 = arith.constant 0 : i32
      %dma_start3A_69 = tpu.memref_slice %arg9[%dma_start3A_67, %dma_start3A_68] : memref<4x128xi32, #tpu.memory_space<vmem>> -> memref<1x128xi32, #tpu.memory_space<vmem>>
      %dma_start3A_70 = tpu.memref_squeeze %dma_start3A_69 : memref<1x128xi32, #tpu.memory_space<vmem>> -> memref<128xi32, #tpu.memory_space<vmem>>
      %dma_start3A_71 = arith.constant 0 : i32
      %dma_start3A_72 = arith.constant 0 : i32
      %dma_start3A_73 = tpu.memref_slice %arg2[%dma_start3A_71, %dma_start3A_72] : memref<10240x128xf32, #tpu.memory_space<hbm>> -> memref<10240x128xf32, #tpu.memory_space<hbm>>
      tpu.enqueue_indirect_dma source(%dma_start3A_73 : memref<10240x128xf32, #tpu.memory_space<hbm>>) target(%arg12 : memref<128x128xf32, #tpu.memory_space<vmem>>) offsets(%dma_start3A_70 : memref<128xi32, #tpu.memory_space<vmem>>) semaphore(%arg16 : memref<!tpu.dma_semaphore, #tpu.memory_space<semaphore_mem>>)
      %dma_wait3A_74 = arith.constant 0 : i32
      %dma_wait3A_75 = arith.constant 0 : i32
      %dma_wait3A_76 = tpu.memref_slice %arg9[%dma_wait3A_74, %dma_wait3A_75] : memref<4x128xi32, #tpu.memory_space<vmem>> -> memref<1x128xi32, #tpu.memory_space<vmem>>
      %dma_wait3A_77 = tpu.memref_squeeze %dma_wait3A_76 : memref<1x128xi32, #tpu.memory_space<vmem>> -> memref<128xi32, #tpu.memory_space<vmem>>
      %dma_wait3A_78 = arith.constant 0 : i32
      %dma_wait3A_79 = arith.constant 0 : i32
      %dma_wait3A_80 = tpu.memref_slice %arg2[%dma_wait3A_78, %dma_wait3A_79] : memref<10240x128xf32, #tpu.memory_space<hbm>> -> memref<10240x128xf32, #tpu.memory_space<hbm>>
      tpu.wait_indirect_dma semaphore(%arg15 : memref<!tpu.dma_semaphore, #tpu.memory_space<semaphore_mem>>) src(%dma_wait3A_80 : memref<10240x128xf32, #tpu.memory_space<hbm>>) dst(%arg11 : memref<128x128xf32, #tpu.memory_space<vmem>>)
      "tpu.region"() ({
        %run_scoped3A = tpu.sem_alloc : memref<!tpu.dma_semaphore, #tpu.memory_space<semaphore_mem>>
        %dma_start3A_186 = arith.constant 0 : i32
        %dma_start3A_187 = tpu.memref_slice %arg8[%add3A_66, %dma_start3A_186] : memref<80x128xi32, #tpu.memory_space<vmem>> -> memref<1x128xi32, #tpu.memory_space<vmem>>
        %dma_start3A_188 = tpu.memref_squeeze %dma_start3A_187 : memref<1x128xi32, #tpu.memory_space<vmem>> -> memref<128xi32, #tpu.memory_space<vmem>>
        %dma_start3A_189 = arith.constant 0 : i32
        %dma_start3A_190 = arith.constant 0 : i32
        %dma_start3A_191 = tpu.memref_slice %arg7[%dma_start3A_189, %dma_start3A_190] : memref<10240x128xf32, #tpu.memory_space<vmem_shared>> -> memref<10240x128xf32, #tpu.memory_space<vmem_shared>>
        tpu.enqueue_indirect_dma source(%arg11 : memref<128x128xf32, #tpu.memory_space<vmem>>) target(%dma_start3A_191 : memref<10240x128xf32, #tpu.memory_space<vmem_shared>>) offsets(%dma_start3A_188 : memref<128xi32, #tpu.memory_space<vmem>>) semaphore(%run_scoped3A : memref<!tpu.dma_semaphore, #tpu.memory_space<semaphore_mem>>) {add = true}
        %dma_wait3A_192 = arith.constant 0 : i32
        %dma_wait3A_193 = tpu.memref_slice %arg8[%add3A_66, %dma_wait3A_192] : memref<80x128xi32, #tpu.memory_space<vmem>> -> memref<1x128xi32, #tpu.memory_space<vmem>>
        %dma_wait3A_194 = tpu.memref_squeeze %dma_wait3A_193 : memref<1x128xi32, #tpu.memory_space<vmem>> -> memref<128xi32, #tpu.memory_space<vmem>>
        %dma_wait3A_195 = arith.constant 0 : i32
        %dma_wait3A_196 = arith.constant 0 : i32
        %dma_wait3A_197 = tpu.memref_slice %arg7[%dma_wait3A_195, %dma_wait3A_196] : memref<10240x128xf32, #tpu.memory_space<vmem_shared>> -> memref<10240x128xf32, #tpu.memory_space<vmem_shared>>
        tpu.wait_indirect_dma semaphore(%run_scoped3A : memref<!tpu.dma_semaphore, #tpu.memory_space<semaphore_mem>>) src(%arg11 : memref<128x128xf32, #tpu.memory_space<vmem>>) dst(%dma_wait3A_197 : memref<10240x128xf32, #tpu.memory_space<vmem_shared>>)
        tpu.yield
      }) : () -> ()
      %mul3A_81 = arith.constant 4 : i32
      %mul3A_82 = arith.muli %add3A_27, %mul3A_81 : i32
      %add3A_83 = arith.constant 3 : i32
      %add3A_84 = arith.addi %mul3A_82, %add3A_83 : i32
      %add3A_85 = arith.constant 1 : i32
      %add3A_86 = arith.addi %add3A_27, %add3A_85 : i32
      %lt3A = arith.constant 20 : i32
      %lt3A_87 = arith.cmpi slt, %add3A_86, %lt3A : i32
      %convert_element_type3A = arith.extui %lt3A_87 : i1 to i32
      %cond3A = arith.constant 0 : i32
      %cond3A_88 = arith.cmpi ne, %convert_element_type3A, %cond3A : i32
      scf.if %cond3A_88 {
        %dma_wait3A_186 = arith.constant 0 : i32
        %dma_wait3A_187 = arith.constant 0 : i32
        %dma_wait3A_188 = tpu.memref_slice %arg3[%add3A, %dma_wait3A_186, %dma_wait3A_187] : memref<32x80x128xi32, #tpu.memory_space<hbm>> -> memref<1x4x128xi32, #tpu.memory_space<hbm>>
        %dma_wait3A_189 = tpu.memref_squeeze %dma_wait3A_188 : memref<1x4x128xi32, #tpu.memory_space<hbm>> -> memref<4x128xi32, #tpu.memory_space<hbm>>
        %dma_wait3A_190 = arith.constant 0 : i32
        %dma_wait3A_191 = arith.constant 0 : i32
        %dma_wait3A_192 = tpu.memref_slice %arg3[%add3A, %dma_wait3A_190, %dma_wait3A_191] : memref<32x80x128xi32, #tpu.memory_space<hbm>> -> memref<1x4x128xi32, #tpu.memory_space<hbm>>
        %dma_wait3A_193 = tpu.memref_squeeze %dma_wait3A_192 : memref<1x4x128xi32, #tpu.memory_space<hbm>> -> memref<4x128xi32, #tpu.memory_space<hbm>>
        tpu.wait_dma2 semaphore(%arg14 : memref<!tpu.dma_semaphore, #tpu.memory_space<semaphore_mem>>) src(%dma_wait3A_193 : memref<4x128xi32, #tpu.memory_space<hbm>>) dst(%arg10 : memref<4x128xi32, #tpu.memory_space<vmem>>)
        %dma_start3A_194 = arith.constant 0 : i32
        %dma_start3A_195 = arith.constant 0 : i32
        %dma_start3A_196 = tpu.memref_slice %arg10[%dma_start3A_194, %dma_start3A_195] : memref<4x128xi32, #tpu.memory_space<vmem>> -> memref<1x128xi32, #tpu.memory_space<vmem>>
        %dma_start3A_197 = tpu.memref_squeeze %dma_start3A_196 : memref<1x128xi32, #tpu.memory_space<vmem>> -> memref<128xi32, #tpu.memory_space<vmem>>
        %dma_start3A_198 = arith.constant 0 : i32
        %dma_start3A_199 = arith.constant 0 : i32
        %dma_start3A_200 = tpu.memref_slice %arg2[%dma_start3A_198, %dma_start3A_199] : memref<10240x128xf32, #tpu.memory_space<hbm>> -> memref<10240x128xf32, #tpu.memory_space<hbm>>
        tpu.enqueue_indirect_dma source(%dma_start3A_200 : memref<10240x128xf32, #tpu.memory_space<hbm>>) target(%arg11 : memref<128x128xf32, #tpu.memory_space<vmem>>) offsets(%dma_start3A_197 : memref<128xi32, #tpu.memory_space<vmem>>) semaphore(%arg15 : memref<!tpu.dma_semaphore, #tpu.memory_space<semaphore_mem>>)
      } else {
      }
      %dma_wait3A_89 = arith.constant 0 : i32
      %dma_wait3A_90 = arith.constant 0 : i32
      %dma_wait3A_91 = tpu.memref_slice %arg9[%dma_wait3A_89, %dma_wait3A_90] : memref<4x128xi32, #tpu.memory_space<vmem>> -> memref<1x128xi32, #tpu.memory_space<vmem>>
      %dma_wait3A_92 = tpu.memref_squeeze %dma_wait3A_91 : memref<1x128xi32, #tpu.memory_space<vmem>> -> memref<128xi32, #tpu.memory_space<vmem>>
      %dma_wait3A_93 = arith.constant 0 : i32
      %dma_wait3A_94 = arith.constant 0 : i32
      %dma_wait3A_95 = tpu.memref_slice %arg2[%dma_wait3A_93, %dma_wait3A_94] : memref<10240x128xf32, #tpu.memory_space<hbm>> -> memref<10240x128xf32, #tpu.memory_space<hbm>>
      tpu.wait_indirect_dma semaphore(%arg16 : memref<!tpu.dma_semaphore, #tpu.memory_space<semaphore_mem>>) src(%dma_wait3A_95 : memref<10240x128xf32, #tpu.memory_space<hbm>>) dst(%arg12 : memref<128x128xf32, #tpu.memory_space<vmem>>)
      "tpu.region"() ({
        %run_scoped3A = tpu.sem_alloc : memref<!tpu.dma_semaphore, #tpu.memory_space<semaphore_mem>>
        %dma_start3A_186 = arith.constant 0 : i32
        %dma_start3A_187 = tpu.memref_slice %arg8[%add3A_84, %dma_start3A_186] : memref<80x128xi32, #tpu.memory_space<vmem>> -> memref<1x128xi32, #tpu.memory_space<vmem>>
        %dma_start3A_188 = tpu.memref_squeeze %dma_start3A_187 : memref<1x128xi32, #tpu.memory_space<vmem>> -> memref<128xi32, #tpu.memory_space<vmem>>
        %dma_start3A_189 = arith.constant 0 : i32
        %dma_start3A_190 = arith.constant 0 : i32
        %dma_start3A_191 = tpu.memref_slice %arg7[%dma_start3A_189, %dma_start3A_190] : memref<10240x128xf32, #tpu.memory_space<vmem_shared>> -> memref<10240x128xf32, #tpu.memory_space<vmem_shared>>
        tpu.enqueue_indirect_dma source(%arg12 : memref<128x128xf32, #tpu.memory_space<vmem>>) target(%dma_start3A_191 : memref<10240x128xf32, #tpu.memory_space<vmem_shared>>) offsets(%dma_start3A_188 : memref<128xi32, #tpu.memory_space<vmem>>) semaphore(%run_scoped3A : memref<!tpu.dma_semaphore, #tpu.memory_space<semaphore_mem>>) {add = true}
        %dma_wait3A_192 = arith.constant 0 : i32
        %dma_wait3A_193 = tpu.memref_slice %arg8[%add3A_84, %dma_wait3A_192] : memref<80x128xi32, #tpu.memory_space<vmem>> -> memref<1x128xi32, #tpu.memory_space<vmem>>
        %dma_wait3A_194 = tpu.memref_squeeze %dma_wait3A_193 : memref<1x128xi32, #tpu.memory_space<vmem>> -> memref<128xi32, #tpu.memory_space<vmem>>
        %dma_wait3A_195 = arith.constant 0 : i32
        %dma_wait3A_196 = arith.constant 0 : i32
        %dma_wait3A_197 = tpu.memref_slice %arg7[%dma_wait3A_195, %dma_wait3A_196] : memref<10240x128xf32, #tpu.memory_space<vmem_shared>> -> memref<10240x128xf32, #tpu.memory_space<vmem_shared>>
        tpu.wait_indirect_dma semaphore(%run_scoped3A : memref<!tpu.dma_semaphore, #tpu.memory_space<semaphore_mem>>) src(%arg12 : memref<128x128xf32, #tpu.memory_space<vmem>>) dst(%dma_wait3A_197 : memref<10240x128xf32, #tpu.memory_space<vmem_shared>>)
        tpu.yield
      }) : () -> ()
      %add3A_96 = arith.constant 2 : i32
      %add3A_97 = arith.addi %add3A_27, %add3A_96 : i32
      %lt3A_98 = arith.constant 20 : i32
      %lt3A_99 = arith.cmpi slt, %add3A_97, %lt3A_98 : i32
      %convert_element_type3A_100 = arith.extui %lt3A_99 : i1 to i32
      %cond3A_101 = arith.constant 0 : i32
      %cond3A_102 = arith.cmpi ne, %convert_element_type3A_100, %cond3A_101 : i32
      scf.if %cond3A_102 {
        %add3A_186 = arith.constant 2 : i32
        %add3A_187 = arith.addi %add3A_27, %add3A_186 : i32
        %mul3A_188 = arith.constant 4 : i32
        %mul3A_189 = arith.muli %add3A_187, %mul3A_188 : i32
        %dma_start3A_190 = arith.constant 0 : i32
        %dma_start3A_191 = tpu.memref_slice %arg3[%add3A, %mul3A_189, %dma_start3A_190] : memref<32x80x128xi32, #tpu.memory_space<hbm>> -> memref<1x4x128xi32, #tpu.memory_space<hbm>>
        %dma_start3A_192 = tpu.memref_squeeze %dma_start3A_191 : memref<1x4x128xi32, #tpu.memory_space<hbm>> -> memref<4x128xi32, #tpu.memory_space<hbm>>
        %dma_start3A_193 = arith.constant 0 : i32
        %dma_start3A_194 = tpu.memref_slice %arg3[%add3A, %mul3A_189, %dma_start3A_193] : memref<32x80x128xi32, #tpu.memory_space<hbm>> -> memref<1x4x128xi32, #tpu.memory_space<hbm>>
        %dma_start3A_195 = tpu.memref_squeeze %dma_start3A_194 : memref<1x4x128xi32, #tpu.memory_space<hbm>> -> memref<4x128xi32, #tpu.memory_space<hbm>>
        tpu.enqueue_dma source(%dma_start3A_195 : memref<4x128xi32, #tpu.memory_space<hbm>>) target(%arg9 : memref<4x128xi32, #tpu.memory_space<vmem>>) target_semaphore(%arg13 : memref<!tpu.dma_semaphore, #tpu.memory_space<semaphore_mem>>)
      } else {
      }
      %mul3A_103 = arith.constant 2 : i32
      %mul3A_104 = arith.muli %mul3A_103, %scan3A_23 : i32
      %add3A_105 = arith.constant 1 : i32
      %add3A_106 = arith.addi %mul3A_104, %add3A_105 : i32
      %mul3A_107 = arith.constant 4 : i32
      %mul3A_108 = arith.muli %add3A_106, %mul3A_107 : i32
      %add3A_109 = arith.constant 0 : i32
      %add3A_110 = arith.addi %mul3A_108, %add3A_109 : i32
      %dma_start3A_111 = arith.constant 1 : i32
      %dma_start3A_112 = arith.constant 0 : i32
      %dma_start3A_113 = tpu.memref_slice %arg10[%dma_start3A_111, %dma_start3A_112] : memref<4x128xi32, #tpu.memory_space<vmem>> -> memref<1x128xi32, #tpu.memory_space<vmem>>
      %dma_start3A_114 = tpu.memref_squeeze %dma_start3A_113 : memref<1x128xi32, #tpu.memory_space<vmem>> -> memref<128xi32, #tpu.memory_space<vmem>>
      %dma_start3A_115 = arith.constant 0 : i32
      %dma_start3A_116 = arith.constant 0 : i32
      %dma_start3A_117 = tpu.memref_slice %arg2[%dma_start3A_115, %dma_start3A_116] : memref<10240x128xf32, #tpu.memory_space<hbm>> -> memref<10240x128xf32, #tpu.memory_space<hbm>>
      tpu.enqueue_indirect_dma source(%dma_start3A_117 : memref<10240x128xf32, #tpu.memory_space<hbm>>) target(%arg12 : memref<128x128xf32, #tpu.memory_space<vmem>>) offsets(%dma_start3A_114 : memref<128xi32, #tpu.memory_space<vmem>>) semaphore(%arg16 : memref<!tpu.dma_semaphore, #tpu.memory_space<semaphore_mem>>)
      %dma_wait3A_118 = arith.constant 0 : i32
      %dma_wait3A_119 = arith.constant 0 : i32
      %dma_wait3A_120 = tpu.memref_slice %arg10[%dma_wait3A_118, %dma_wait3A_119] : memref<4x128xi32, #tpu.memory_space<vmem>> -> memref<1x128xi32, #tpu.memory_space<vmem>>
      %dma_wait3A_121 = tpu.memref_squeeze %dma_wait3A_120 : memref<1x128xi32, #tpu.memory_space<vmem>> -> memref<128xi32, #tpu.memory_space<vmem>>
      %dma_wait3A_122 = arith.constant 0 : i32
      %dma_wait3A_123 = arith.constant 0 : i32
      %dma_wait3A_124 = tpu.memref_slice %arg2[%dma_wait3A_122, %dma_wait3A_123] : memref<10240x128xf32, #tpu.memory_space<hbm>> -> memref<10240x128xf32, #tpu.memory_space<hbm>>
      tpu.wait_indirect_dma semaphore(%arg15 : memref<!tpu.dma_semaphore, #tpu.memory_space<semaphore_mem>>) src(%dma_wait3A_124 : memref<10240x128xf32, #tpu.memory_space<hbm>>) dst(%arg11 : memref<128x128xf32, #tpu.memory_space<vmem>>)
      "tpu.region"() ({
        %run_scoped3A = tpu.sem_alloc : memref<!tpu.dma_semaphore, #tpu.memory_space<semaphore_mem>>
        %dma_start3A_186 = arith.constant 0 : i32
        %dma_start3A_187 = tpu.memref_slice %arg8[%add3A_110, %dma_start3A_186] : memref<80x128xi32, #tpu.memory_space<vmem>> -> memref<1x128xi32, #tpu.memory_space<vmem>>
        %dma_start3A_188 = tpu.memref_squeeze %dma_start3A_187 : memref<1x128xi32, #tpu.memory_space<vmem>> -> memref<128xi32, #tpu.memory_space<vmem>>
        %dma_start3A_189 = arith.constant 0 : i32
        %dma_start3A_190 = arith.constant 0 : i32
        %dma_start3A_191 = tpu.memref_slice %arg7[%dma_start3A_189, %dma_start3A_190] : memref<10240x128xf32, #tpu.memory_space<vmem_shared>> -> memref<10240x128xf32, #tpu.memory_space<vmem_shared>>
        tpu.enqueue_indirect_dma source(%arg11 : memref<128x128xf32, #tpu.memory_space<vmem>>) target(%dma_start3A_191 : memref<10240x128xf32, #tpu.memory_space<vmem_shared>>) offsets(%dma_start3A_188 : memref<128xi32, #tpu.memory_space<vmem>>) semaphore(%run_scoped3A : memref<!tpu.dma_semaphore, #tpu.memory_space<semaphore_mem>>) {add = true}
        %dma_wait3A_192 = arith.constant 0 : i32
        %dma_wait3A_193 = tpu.memref_slice %arg8[%add3A_110, %dma_wait3A_192] : memref<80x128xi32, #tpu.memory_space<vmem>> -> memref<1x128xi32, #tpu.memory_space<vmem>>
        %dma_wait3A_194 = tpu.memref_squeeze %dma_wait3A_193 : memref<1x128xi32, #tpu.memory_space<vmem>> -> memref<128xi32, #tpu.memory_space<vmem>>
        %dma_wait3A_195 = arith.constant 0 : i32
        %dma_wait3A_196 = arith.constant 0 : i32
        %dma_wait3A_197 = tpu.memref_slice %arg7[%dma_wait3A_195, %dma_wait3A_196] : memref<10240x128xf32, #tpu.memory_space<vmem_shared>> -> memref<10240x128xf32, #tpu.memory_space<vmem_shared>>
        tpu.wait_indirect_dma semaphore(%run_scoped3A : memref<!tpu.dma_semaphore, #tpu.memory_space<semaphore_mem>>) src(%arg11 : memref<128x128xf32, #tpu.memory_space<vmem>>) dst(%dma_wait3A_197 : memref<10240x128xf32, #tpu.memory_space<vmem_shared>>)
        tpu.yield
      }) : () -> ()
      %mul3A_125 = arith.constant 4 : i32
      %mul3A_126 = arith.muli %add3A_106, %mul3A_125 : i32
      %add3A_127 = arith.constant 1 : i32
      %add3A_128 = arith.addi %mul3A_126, %add3A_127 : i32
      %dma_start3A_129 = arith.constant 2 : i32
      %dma_start3A_130 = arith.constant 0 : i32
      %dma_start3A_131 = tpu.memref_slice %arg10[%dma_start3A_129, %dma_start3A_130] : memref<4x128xi32, #tpu.memory_space<vmem>> -> memref<1x128xi32, #tpu.memory_space<vmem>>
      %dma_start3A_132 = tpu.memref_squeeze %dma_start3A_131 : memref<1x128xi32, #tpu.memory_space<vmem>> -> memref<128xi32, #tpu.memory_space<vmem>>
      %dma_start3A_133 = arith.constant 0 : i32
      %dma_start3A_134 = arith.constant 0 : i32
      %dma_start3A_135 = tpu.memref_slice %arg2[%dma_start3A_133, %dma_start3A_134] : memref<10240x128xf32, #tpu.memory_space<hbm>> -> memref<10240x128xf32, #tpu.memory_space<hbm>>
      tpu.enqueue_indirect_dma source(%dma_start3A_135 : memref<10240x128xf32, #tpu.memory_space<hbm>>) target(%arg11 : memref<128x128xf32, #tpu.memory_space<vmem>>) offsets(%dma_start3A_132 : memref<128xi32, #tpu.memory_space<vmem>>) semaphore(%arg15 : memref<!tpu.dma_semaphore, #tpu.memory_space<semaphore_mem>>)
      %dma_wait3A_136 = arith.constant 0 : i32
      %dma_wait3A_137 = arith.constant 0 : i32
      %dma_wait3A_138 = tpu.memref_slice %arg10[%dma_wait3A_136, %dma_wait3A_137] : memref<4x128xi32, #tpu.memory_space<vmem>> -> memref<1x128xi32, #tpu.memory_space<vmem>>
      %dma_wait3A_139 = tpu.memref_squeeze %dma_wait3A_138 : memref<1x128xi32, #tpu.memory_space<vmem>> -> memref<128xi32, #tpu.memory_space<vmem>>
      %dma_wait3A_140 = arith.constant 0 : i32
      %dma_wait3A_141 = arith.constant 0 : i32
      %dma_wait3A_142 = tpu.memref_slice %arg2[%dma_wait3A_140, %dma_wait3A_141] : memref<10240x128xf32, #tpu.memory_space<hbm>> -> memref<10240x128xf32, #tpu.memory_space<hbm>>
      tpu.wait_indirect_dma semaphore(%arg16 : memref<!tpu.dma_semaphore, #tpu.memory_space<semaphore_mem>>) src(%dma_wait3A_142 : memref<10240x128xf32, #tpu.memory_space<hbm>>) dst(%arg12 : memref<128x128xf32, #tpu.memory_space<vmem>>)
      "tpu.region"() ({
        %run_scoped3A = tpu.sem_alloc : memref<!tpu.dma_semaphore, #tpu.memory_space<semaphore_mem>>
        %dma_start3A_186 = arith.constant 0 : i32
        %dma_start3A_187 = tpu.memref_slice %arg8[%add3A_128, %dma_start3A_186] : memref<80x128xi32, #tpu.memory_space<vmem>> -> memref<1x128xi32, #tpu.memory_space<vmem>>
        %dma_start3A_188 = tpu.memref_squeeze %dma_start3A_187 : memref<1x128xi32, #tpu.memory_space<vmem>> -> memref<128xi32, #tpu.memory_space<vmem>>
        %dma_start3A_189 = arith.constant 0 : i32
        %dma_start3A_190 = arith.constant 0 : i32
        %dma_start3A_191 = tpu.memref_slice %arg7[%dma_start3A_189, %dma_start3A_190] : memref<10240x128xf32, #tpu.memory_space<vmem_shared>> -> memref<10240x128xf32, #tpu.memory_space<vmem_shared>>
        tpu.enqueue_indirect_dma source(%arg12 : memref<128x128xf32, #tpu.memory_space<vmem>>) target(%dma_start3A_191 : memref<10240x128xf32, #tpu.memory_space<vmem_shared>>) offsets(%dma_start3A_188 : memref<128xi32, #tpu.memory_space<vmem>>) semaphore(%run_scoped3A : memref<!tpu.dma_semaphore, #tpu.memory_space<semaphore_mem>>) {add = true}
        %dma_wait3A_192 = arith.constant 0 : i32
        %dma_wait3A_193 = tpu.memref_slice %arg8[%add3A_128, %dma_wait3A_192] : memref<80x128xi32, #tpu.memory_space<vmem>> -> memref<1x128xi32, #tpu.memory_space<vmem>>
        %dma_wait3A_194 = tpu.memref_squeeze %dma_wait3A_193 : memref<1x128xi32, #tpu.memory_space<vmem>> -> memref<128xi32, #tpu.memory_space<vmem>>
        %dma_wait3A_195 = arith.constant 0 : i32
        %dma_wait3A_196 = arith.constant 0 : i32
        %dma_wait3A_197 = tpu.memref_slice %arg7[%dma_wait3A_195, %dma_wait3A_196] : memref<10240x128xf32, #tpu.memory_space<vmem_shared>> -> memref<10240x128xf32, #tpu.memory_space<vmem_shared>>
        tpu.wait_indirect_dma semaphore(%run_scoped3A : memref<!tpu.dma_semaphore, #tpu.memory_space<semaphore_mem>>) src(%arg12 : memref<128x128xf32, #tpu.memory_space<vmem>>) dst(%dma_wait3A_197 : memref<10240x128xf32, #tpu.memory_space<vmem_shared>>)
        tpu.yield
      }) : () -> ()
      %mul3A_143 = arith.constant 4 : i32
      %mul3A_144 = arith.muli %add3A_106, %mul3A_143 : i32
      %add3A_145 = arith.constant 2 : i32
      %add3A_146 = arith.addi %mul3A_144, %add3A_145 : i32
      %dma_start3A_147 = arith.constant 3 : i32
      %dma_start3A_148 = arith.constant 0 : i32
      %dma_start3A_149 = tpu.memref_slice %arg10[%dma_start3A_147, %dma_start3A_148] : memref<4x128xi32, #tpu.memory_space<vmem>> -> memref<1x128xi32, #tpu.memory_space<vmem>>
      %dma_start3A_150 = tpu.memref_squeeze %dma_start3A_149 : memref<1x128xi32, #tpu.memory_space<vmem>> -> memref<128xi32, #tpu.memory_space<vmem>>
      %dma_start3A_151 = arith.constant 0 : i32
      %dma_start3A_152 = arith.constant 0 : i32
      %dma_start3A_153 = tpu.memref_slice %arg2[%dma_start3A_151, %dma_start3A_152] : memref<10240x128xf32, #tpu.memory_space<hbm>> -> memref<10240x128xf32, #tpu.memory_space<hbm>>
      tpu.enqueue_indirect_dma source(%dma_start3A_153 : memref<10240x128xf32, #tpu.memory_space<hbm>>) target(%arg12 : memref<128x128xf32, #tpu.memory_space<vmem>>) offsets(%dma_start3A_150 : memref<128xi32, #tpu.memory_space<vmem>>) semaphore(%arg16 : memref<!tpu.dma_semaphore, #tpu.memory_space<semaphore_mem>>)
      %dma_wait3A_154 = arith.constant 0 : i32
      %dma_wait3A_155 = arith.constant 0 : i32
      %dma_wait3A_156 = tpu.memref_slice %arg10[%dma_wait3A_154, %dma_wait3A_155] : memref<4x128xi32, #tpu.memory_space<vmem>> -> memref<1x128xi32, #tpu.memory_space<vmem>>
      %dma_wait3A_157 = tpu.memref_squeeze %dma_wait3A_156 : memref<1x128xi32, #tpu.memory_space<vmem>> -> memref<128xi32, #tpu.memory_space<vmem>>
      %dma_wait3A_158 = arith.constant 0 : i32
      %dma_wait3A_159 = arith.constant 0 : i32
      %dma_wait3A_160 = tpu.memref_slice %arg2[%dma_wait3A_158, %dma_wait3A_159] : memref<10240x128xf32, #tpu.memory_space<hbm>> -> memref<10240x128xf32, #tpu.memory_space<hbm>>
      tpu.wait_indirect_dma semaphore(%arg15 : memref<!tpu.dma_semaphore, #tpu.memory_space<semaphore_mem>>) src(%dma_wait3A_160 : memref<10240x128xf32, #tpu.memory_space<hbm>>) dst(%arg11 : memref<128x128xf32, #tpu.memory_space<vmem>>)
      "tpu.region"() ({
        %run_scoped3A = tpu.sem_alloc : memref<!tpu.dma_semaphore, #tpu.memory_space<semaphore_mem>>
        %dma_start3A_186 = arith.constant 0 : i32
        %dma_start3A_187 = tpu.memref_slice %arg8[%add3A_146, %dma_start3A_186] : memref<80x128xi32, #tpu.memory_space<vmem>> -> memref<1x128xi32, #tpu.memory_space<vmem>>
        %dma_start3A_188 = tpu.memref_squeeze %dma_start3A_187 : memref<1x128xi32, #tpu.memory_space<vmem>> -> memref<128xi32, #tpu.memory_space<vmem>>
        %dma_start3A_189 = arith.constant 0 : i32
        %dma_start3A_190 = arith.constant 0 : i32
        %dma_start3A_191 = tpu.memref_slice %arg7[%dma_start3A_189, %dma_start3A_190] : memref<10240x128xf32, #tpu.memory_space<vmem_shared>> -> memref<10240x128xf32, #tpu.memory_space<vmem_shared>>
        tpu.enqueue_indirect_dma source(%arg11 : memref<128x128xf32, #tpu.memory_space<vmem>>) target(%dma_start3A_191 : memref<10240x128xf32, #tpu.memory_space<vmem_shared>>) offsets(%dma_start3A_188 : memref<128xi32, #tpu.memory_space<vmem>>) semaphore(%run_scoped3A : memref<!tpu.dma_semaphore, #tpu.memory_space<semaphore_mem>>) {add = true}
        %dma_wait3A_192 = arith.constant 0 : i32
        %dma_wait3A_193 = tpu.memref_slice %arg8[%add3A_146, %dma_wait3A_192] : memref<80x128xi32, #tpu.memory_space<vmem>> -> memref<1x128xi32, #tpu.memory_space<vmem>>
        %dma_wait3A_194 = tpu.memref_squeeze %dma_wait3A_193 : memref<1x128xi32, #tpu.memory_space<vmem>> -> memref<128xi32, #tpu.memory_space<vmem>>
        %dma_wait3A_195 = arith.constant 0 : i32
        %dma_wait3A_196 = arith.constant 0 : i32
        %dma_wait3A_197 = tpu.memref_slice %arg7[%dma_wait3A_195, %dma_wait3A_196] : memref<10240x128xf32, #tpu.memory_space<vmem_shared>> -> memref<10240x128xf32, #tpu.memory_space<vmem_shared>>
        tpu.wait_indirect_dma semaphore(%run_scoped3A : memref<!tpu.dma_semaphore, #tpu.memory_space<semaphore_mem>>) src(%arg11 : memref<128x128xf32, #tpu.memory_space<vmem>>) dst(%dma_wait3A_197 : memref<10240x128xf32, #tpu.memory_space<vmem_shared>>)
        tpu.yield
      }) : () -> ()
      %mul3A_161 = arith.constant 4 : i32
      %mul3A_162 = arith.muli %add3A_106, %mul3A_161 : i32
      %add3A_163 = arith.constant 3 : i32
      %add3A_164 = arith.addi %mul3A_162, %add3A_163 : i32
      %add3A_165 = arith.constant 1 : i32
      %add3A_166 = arith.addi %add3A_106, %add3A_165 : i32
      %lt3A_167 = arith.constant 20 : i32
      %lt3A_168 = arith.cmpi slt, %add3A_166, %lt3A_167 : i32
      %convert_element_type3A_169 = arith.extui %lt3A_168 : i1 to i32
      %cond3A_170 = arith.constant 0 : i32
      %cond3A_171 = arith.cmpi ne, %convert_element_type3A_169, %cond3A_170 : i32
      scf.if %cond3A_171 {
        %dma_wait3A_186 = arith.constant 0 : i32
        %dma_wait3A_187 = arith.constant 0 : i32
        %dma_wait3A_188 = tpu.memref_slice %arg3[%add3A, %dma_wait3A_186, %dma_wait3A_187] : memref<32x80x128xi32, #tpu.memory_space<hbm>> -> memref<1x4x128xi32, #tpu.memory_space<hbm>>
        %dma_wait3A_189 = tpu.memref_squeeze %dma_wait3A_188 : memref<1x4x128xi32, #tpu.memory_space<hbm>> -> memref<4x128xi32, #tpu.memory_space<hbm>>
        %dma_wait3A_190 = arith.constant 0 : i32
        %dma_wait3A_191 = arith.constant 0 : i32
        %dma_wait3A_192 = tpu.memref_slice %arg3[%add3A, %dma_wait3A_190, %dma_wait3A_191] : memref<32x80x128xi32, #tpu.memory_space<hbm>> -> memref<1x4x128xi32, #tpu.memory_space<hbm>>
        %dma_wait3A_193 = tpu.memref_squeeze %dma_wait3A_192 : memref<1x4x128xi32, #tpu.memory_space<hbm>> -> memref<4x128xi32, #tpu.memory_space<hbm>>
        tpu.wait_dma2 semaphore(%arg13 : memref<!tpu.dma_semaphore, #tpu.memory_space<semaphore_mem>>) src(%dma_wait3A_193 : memref<4x128xi32, #tpu.memory_space<hbm>>) dst(%arg9 : memref<4x128xi32, #tpu.memory_space<vmem>>)
        %dma_start3A_194 = arith.constant 0 : i32
        %dma_start3A_195 = arith.constant 0 : i32
        %dma_start3A_196 = tpu.memref_slice %arg9[%dma_start3A_194, %dma_start3A_195] : memref<4x128xi32, #tpu.memory_space<vmem>> -> memref<1x128xi32, #tpu.memory_space<vmem>>
        %dma_start3A_197 = tpu.memref_squeeze %dma_start3A_196 : memref<1x128xi32, #tpu.memory_space<vmem>> -> memref<128xi32, #tpu.memory_space<vmem>>
        %dma_start3A_198 = arith.constant 0 : i32
        %dma_start3A_199 = arith.constant 0 : i32
        %dma_start3A_200 = tpu.memref_slice %arg2[%dma_start3A_198, %dma_start3A_199] : memref<10240x128xf32, #tpu.memory_space<hbm>> -> memref<10240x128xf32, #tpu.memory_space<hbm>>
        tpu.enqueue_indirect_dma source(%dma_start3A_200 : memref<10240x128xf32, #tpu.memory_space<hbm>>) target(%arg11 : memref<128x128xf32, #tpu.memory_space<vmem>>) offsets(%dma_start3A_197 : memref<128xi32, #tpu.memory_space<vmem>>) semaphore(%arg15 : memref<!tpu.dma_semaphore, #tpu.memory_space<semaphore_mem>>)
      } else {
      }
      %dma_wait3A_172 = arith.constant 0 : i32
      %dma_wait3A_173 = arith.constant 0 : i32
      %dma_wait3A_174 = tpu.memref_slice %arg10[%dma_wait3A_172, %dma_wait3A_173] : memref<4x128xi32, #tpu.memory_space<vmem>> -> memref<1x128xi32, #tpu.memory_space<vmem>>
      %dma_wait3A_175 = tpu.memref_squeeze %dma_wait3A_174 : memref<1x128xi32, #tpu.memory_space<vmem>> -> memref<128xi32, #tpu.memory_space<vmem>>
      %dma_wait3A_176 = arith.constant 0 : i32
      %dma_wait3A_177 = arith.constant 0 : i32
      %dma_wait3A_178 = tpu.memref_slice %arg2[%dma_wait3A_176, %dma_wait3A_177] : memref<10240x128xf32, #tpu.memory_space<hbm>> -> memref<10240x128xf32, #tpu.memory_space<hbm>>
      tpu.wait_indirect_dma semaphore(%arg16 : memref<!tpu.dma_semaphore, #tpu.memory_space<semaphore_mem>>) src(%dma_wait3A_178 : memref<10240x128xf32, #tpu.memory_space<hbm>>) dst(%arg12 : memref<128x128xf32, #tpu.memory_space<vmem>>)
      "tpu.region"() ({
        %run_scoped3A = tpu.sem_alloc : memref<!tpu.dma_semaphore, #tpu.memory_space<semaphore_mem>>
        %dma_start3A_186 = arith.constant 0 : i32
        %dma_start3A_187 = tpu.memref_slice %arg8[%add3A_164, %dma_start3A_186] : memref<80x128xi32, #tpu.memory_space<vmem>> -> memref<1x128xi32, #tpu.memory_space<vmem>>
        %dma_start3A_188 = tpu.memref_squeeze %dma_start3A_187 : memref<1x128xi32, #tpu.memory_space<vmem>> -> memref<128xi32, #tpu.memory_space<vmem>>
        %dma_start3A_189 = arith.constant 0 : i32
        %dma_start3A_190 = arith.constant 0 : i32
        %dma_start3A_191 = tpu.memref_slice %arg7[%dma_start3A_189, %dma_start3A_190] : memref<10240x128xf32, #tpu.memory_space<vmem_shared>> -> memref<10240x128xf32, #tpu.memory_space<vmem_shared>>
        tpu.enqueue_indirect_dma source(%arg12 : memref<128x128xf32, #tpu.memory_space<vmem>>) target(%dma_start3A_191 : memref<10240x128xf32, #tpu.memory_space<vmem_shared>>) offsets(%dma_start3A_188 : memref<128xi32, #tpu.memory_space<vmem>>) semaphore(%run_scoped3A : memref<!tpu.dma_semaphore, #tpu.memory_space<semaphore_mem>>) {add = true}
        %dma_wait3A_192 = arith.constant 0 : i32
        %dma_wait3A_193 = tpu.memref_slice %arg8[%add3A_164, %dma_wait3A_192] : memref<80x128xi32, #tpu.memory_space<vmem>> -> memref<1x128xi32, #tpu.memory_space<vmem>>
        %dma_wait3A_194 = tpu.memref_squeeze %dma_wait3A_193 : memref<1x128xi32, #tpu.memory_space<vmem>> -> memref<128xi32, #tpu.memory_space<vmem>>
        %dma_wait3A_195 = arith.constant 0 : i32
        %dma_wait3A_196 = arith.constant 0 : i32
        %dma_wait3A_197 = tpu.memref_slice %arg7[%dma_wait3A_195, %dma_wait3A_196] : memref<10240x128xf32, #tpu.memory_space<vmem_shared>> -> memref<10240x128xf32, #tpu.memory_space<vmem_shared>>
        tpu.wait_indirect_dma semaphore(%run_scoped3A : memref<!tpu.dma_semaphore, #tpu.memory_space<semaphore_mem>>) src(%arg12 : memref<128x128xf32, #tpu.memory_space<vmem>>) dst(%dma_wait3A_197 : memref<10240x128xf32, #tpu.memory_space<vmem_shared>>)
        tpu.yield
      }) : () -> ()
      %add3A_179 = arith.constant 2 : i32
      %add3A_180 = arith.addi %add3A_106, %add3A_179 : i32
      %lt3A_181 = arith.constant 20 : i32
      %lt3A_182 = arith.cmpi slt, %add3A_180, %lt3A_181 : i32
      %convert_element_type3A_183 = arith.extui %lt3A_182 : i1 to i32
      %cond3A_184 = arith.constant 0 : i32
      %cond3A_185 = arith.cmpi ne, %convert_element_type3A_183, %cond3A_184 : i32
      scf.if %cond3A_185 {
        %add3A_186 = arith.constant 2 : i32
        %add3A_187 = arith.addi %add3A_106, %add3A_186 : i32
        %mul3A_188 = arith.constant 4 : i32
        %mul3A_189 = arith.muli %add3A_187, %mul3A_188 : i32
        %dma_start3A_190 = arith.constant 0 : i32
        %dma_start3A_191 = tpu.memref_slice %arg3[%add3A, %mul3A_189, %dma_start3A_190] : memref<32x80x128xi32, #tpu.memory_space<hbm>> -> memref<1x4x128xi32, #tpu.memory_space<hbm>>
        %dma_start3A_192 = tpu.memref_squeeze %dma_start3A_191 : memref<1x4x128xi32, #tpu.memory_space<hbm>> -> memref<4x128xi32, #tpu.memory_space<hbm>>
        %dma_start3A_193 = arith.constant 0 : i32
        %dma_start3A_194 = tpu.memref_slice %arg3[%add3A, %mul3A_189, %dma_start3A_193] : memref<32x80x128xi32, #tpu.memory_space<hbm>> -> memref<1x4x128xi32, #tpu.memory_space<hbm>>
        %dma_start3A_195 = tpu.memref_squeeze %dma_start3A_194 : memref<1x4x128xi32, #tpu.memory_space<hbm>> -> memref<4x128xi32, #tpu.memory_space<hbm>>
        tpu.enqueue_dma source(%dma_start3A_195 : memref<4x128xi32, #tpu.memory_space<hbm>>) target(%arg10 : memref<4x128xi32, #tpu.memory_space<vmem>>) target_semaphore(%arg14 : memref<!tpu.dma_semaphore, #tpu.memory_space<semaphore_mem>>)
      } else {
      }
    }
    %scan3A_21 = arith.constant 10 : i32
    %barrier3A_22 = arith.constant 0 : index
    tpu.barrier barrier_id(%barrier3A_22)
    "tpu.region"() ({
      %run_scoped3A = tpu.sem_alloc : memref<!tpu.dma_semaphore, #tpu.memory_space<semaphore_mem>>
      %dma_start3A_23 = arith.constant 0 : i32
      %dma_start3A_24 = tpu.memref_slice %arg6[%arg0, %mul3A_2, %dma_start3A_23] : memref<2x10240x128xf32, #tpu.memory_space<hbm>> -> memref<1x640x128xf32, #tpu.memory_space<hbm>>
      %dma_start3A_25 = tpu.memref_squeeze %dma_start3A_24 : memref<1x640x128xf32, #tpu.memory_space<hbm>> -> memref<640x128xf32, #tpu.memory_space<hbm>>
      %dma_start3A_26 = arith.constant 0 : i32
      %dma_start3A_27 = tpu.memref_slice %arg7[%mul3A_2, %dma_start3A_26] : memref<10240x128xf32, #tpu.memory_space<vmem_shared>> -> memref<640x128xf32, #tpu.memory_space<vmem_shared>>
      tpu.enqueue_dma source(%dma_start3A_27 : memref<640x128xf32, #tpu.memory_space<vmem_shared>>) target(%dma_start3A_25 : memref<640x128xf32, #tpu.memory_space<hbm>>) target_semaphore(%run_scoped3A : memref<!tpu.dma_semaphore, #tpu.memory_space<semaphore_mem>>)
      %dma_wait3A = arith.constant 0 : i32
      %dma_wait3A_28 = tpu.memref_slice %arg6[%arg0, %mul3A_2, %dma_wait3A] : memref<2x10240x128xf32, #tpu.memory_space<hbm>> -> memref<1x640x128xf32, #tpu.memory_space<hbm>>
      %dma_wait3A_29 = tpu.memref_squeeze %dma_wait3A_28 : memref<1x640x128xf32, #tpu.memory_space<hbm>> -> memref<640x128xf32, #tpu.memory_space<hbm>>
      %dma_wait3A_30 = arith.constant 0 : i32
      %dma_wait3A_31 = tpu.memref_slice %arg7[%mul3A_2, %dma_wait3A_30] : memref<10240x128xf32, #tpu.memory_space<vmem_shared>> -> memref<640x128xf32, #tpu.memory_space<vmem_shared>>
      tpu.wait_dma2 semaphore(%run_scoped3A : memref<!tpu.dma_semaphore, #tpu.memory_space<semaphore_mem>>) src(%dma_wait3A_31 : memref<640x128xf32, #tpu.memory_space<vmem_shared>>) dst(%dma_wait3A_29 : memref<640x128xf32, #tpu.memory_space<hbm>>)
      tpu.yield
    }) : () -> ()
    return
  }
}

module attributes {stable_mosaic.version = 14 : i64} {
  func.func @_tc1_body(%arg0: i32, %arg1: memref<640x128xf32, #tpu.memory_space<vmem>>, %arg2: memref<640x128xf32, #tpu.memory_space<vmem>>, %arg3: memref<640x128xf32, #tpu.memory_space<vmem>>, %arg4: memref<128x128xf32, #tpu.memory_space<vmem>>, %arg5: memref<640x128xf32, #tpu.memory_space<vmem>>, %arg6: memref<640x16xf32, #tpu.memory_space<vmem>>) attributes {dimension_semantics = [#tpu.dimension_semantics<arbitrary>], iteration_bounds = array<i64: 16>, scalar_prefetch = 0 : i64, scratch_operands = 0 : i64, tpu.core_type = #tpu.core_type<tc>, window_params = [{transform_indices = @transform_0, window_bounds = array<i64: 640, 128>}, {transform_indices = @transform_1, window_bounds = array<i64: 640, 128>}, {transform_indices = @transform_2, window_bounds = array<i64: 640, 128>}, {pipeline_mode = #tpu.pipeline_mode<synchronous>, transform_indices = @transform_3, window_bounds = array<i64: 128, 128>}, {transform_indices = @transform_4, window_bounds = array<i64: 640, 128>}, {transform_indices = @transform_5, window_bounds = array<i64: 640, 16>}]} {
    %get3A = arith.constant 0 : index
    %get3A_0 = arith.constant 0 : index
    %get3A_1 = vector.load %arg2[%get3A, %get3A_0] : memref<640x128xf32, #tpu.memory_space<vmem>>, vector<640x128xf32>
    %get3A_2 = arith.constant 0 : index
    %get3A_3 = arith.constant 0 : index
    %get3A_4 = vector.load %arg3[%get3A_2, %get3A_3] : memref<640x128xf32, #tpu.memory_space<vmem>>, vector<640x128xf32>
    %add3A = arith.addf %get3A_1, %get3A_4 : vector<640x128xf32>
    %add3A_5 = arith.constant 1.000000e+00 : f32
    %add3A_6 = vector.broadcast %add3A_5 : f32 to vector<640x128xf32>
    %add3A_7 = arith.addf %add3A, %add3A_6 : vector<640x128xf32>
    %sqrt3A = math.sqrt %add3A_7 : vector<640x128xf32>
    %div3A = arith.constant 1.000000e+00 : f32
    %div3A_8 = vector.broadcast %div3A : f32 to vector<640x128xf32>
    %div3A_9 = arith.divf %div3A_8, %sqrt3A : vector<640x128xf32>
    %slice3A = vector.extract_strided_slice %div3A_9 {offsets = [0, 0], sizes = [640, 16], strides = [1, 1]} : vector<640x128xf32> to vector<640x16xf32>
    %swap3A = arith.constant 0 : index
    %swap3A_10 = arith.constant 0 : index
    %swap3A_11 = vector.load %arg6[%swap3A, %swap3A_10] : memref<640x16xf32, #tpu.memory_space<vmem>>, vector<640x16xf32>
    tpu.vector_store %arg6[%swap3A, %swap3A_10], %slice3A {strides = array<i32>} : memref<640x16xf32, #tpu.memory_space<vmem>>, vector<640x16xf32>,
    %get3A_12 = arith.constant 0 : index
    %get3A_13 = arith.constant 0 : index
    %get3A_14 = vector.load %arg1[%get3A_12, %get3A_13] : memref<640x128xf32, #tpu.memory_space<vmem>>, vector<640x128xf32>
    %get3A_15 = arith.constant 0 : index
    %get3A_16 = arith.constant 0 : index
    %get3A_17 = vector.load %arg4[%get3A_15, %get3A_16] : memref<128x128xf32, #tpu.memory_space<vmem>>, vector<128x128xf32>
    %dot_general3A = arith.constant dense<0.000000e+00> : vector<640x128xf32>
    %dot_general3A_18 = tpu.matmul %get3A_14, %get3A_17, %dot_general3A {dimension_numbers = #tpu.dot_dimension_numbers<[1], [0], [0], [1], [0, 0, 1, 1], [], []>, transpose_lhs_hint = false} : vector<640x128xf32>, vector<128x128xf32>, vector<640x128xf32> -> vector<640x128xf32>
    %slice3A_19 = vector.extract_strided_slice %div3A_9 {offsets = [0, 0], sizes = [640, 1], strides = [1, 1]} : vector<640x128xf32> to vector<640x1xf32>
    %mul3A = vector.broadcast %slice3A_19 : vector<640x1xf32> to vector<640x128xf32>
    %mul3A_20 = arith.mulf %dot_general3A_18, %mul3A : vector<640x128xf32>
    %swap3A_21 = arith.constant 0 : index
    %swap3A_22 = arith.constant 0 : index
    %swap3A_23 = vector.load %arg5[%swap3A_21, %swap3A_22] : memref<640x128xf32, #tpu.memory_space<vmem>>, vector<640x128xf32>
    tpu.vector_store %arg5[%swap3A_21, %swap3A_22], %mul3A_20 {strides = array<i32>} : memref<640x128xf32, #tpu.memory_space<vmem>>, vector<640x128xf32>,
    return
  }
  func.func @transform_0(%arg0: i32) -> (i32, i32) {
    %c0_i32 = arith.constant 0 : i32
    %c0_i32_0 = arith.constant 0 : i32
    return %arg0, %c0_i32 : i32, i32
  }
  func.func @transform_1(%arg0: i32) -> (i32, i32) {
    %c0_i32 = arith.constant 0 : i32
    %c0_i32_0 = arith.constant 0 : i32
    return %arg0, %c0_i32 : i32, i32
  }
  func.func @transform_2(%arg0: i32) -> (i32, i32) {
    %c0_i32 = arith.constant 0 : i32
    %c0_i32_0 = arith.constant 0 : i32
    return %arg0, %c0_i32 : i32, i32
  }
  func.func @transform_3(%arg0: i32) -> (i32, i32) {
    %c0_i32 = arith.constant 0 : i32
    %c0_i32_0 = arith.constant 0 : i32
    %c0_i32_1 = arith.constant 0 : i32
    return %c0_i32, %c0_i32_0 : i32, i32
  }
  func.func @transform_4(%arg0: i32) -> (i32, i32) {
    %c0_i32 = arith.constant 0 : i32
    %c0_i32_0 = arith.constant 0 : i32
    return %arg0, %c0_i32 : i32, i32
  }
  func.func @transform_5(%arg0: i32) -> (i32, i32) {
    %c0_i32 = arith.constant 0 : i32
    %c0_i32_0 = arith.constant 0 : i32
    return %arg0, %c0_i32 : i32, i32
  }
}

module attributes {stable_mosaic.version = 14 : i64} {
  func.func @_tc2_body(%arg0: i32, %arg1: memref<640x128xf32, #tpu.memory_space<vmem>>, %arg2: memref<640x128xf32, #tpu.memory_space<vmem>>, %arg3: memref<640x128xf32, #tpu.memory_space<vmem>>, %arg4: memref<640x16xf32, #tpu.memory_space<vmem>>, %arg5: memref<128x128xf32, #tpu.memory_space<vmem>>, %arg6: memref<1x128xf32, #tpu.memory_space<vmem>>, %arg7: memref<640x128xf32, #tpu.memory_space<vmem>>) attributes {dimension_semantics = [#tpu.dimension_semantics<arbitrary>], iteration_bounds = array<i64: 16>, scalar_prefetch = 0 : i64, scratch_operands = 0 : i64, tpu.core_type = #tpu.core_type<tc>, window_params = [{transform_indices = @transform_0, window_bounds = array<i64: 640, 128>}, {transform_indices = @transform_1, window_bounds = array<i64: 640, 128>}, {transform_indices = @transform_2, window_bounds = array<i64: 640, 128>}, {transform_indices = @transform_3, window_bounds = array<i64: 640, 16>}, {pipeline_mode = #tpu.pipeline_mode<synchronous>, transform_indices = @transform_4, window_bounds = array<i64: 128, 128>}, {pipeline_mode = #tpu.pipeline_mode<synchronous>, transform_indices = @transform_5, window_bounds = array<i64: 1, 128>}, {transform_indices = @transform_6, window_bounds = array<i64: 640, 128>}]} {
    %get3A = arith.constant 0 : index
    %get3A_0 = arith.constant 0 : index
    %get3A_1 = vector.load %arg4[%get3A, %get3A_0] : memref<640x16xf32, #tpu.memory_space<vmem>>, vector<640x16xf32>
    %slice3A = vector.extract_strided_slice %get3A_1 {offsets = [0, 0], sizes = [640, 1], strides = [1, 1]} : vector<640x16xf32> to vector<640x1xf32>
    %get3A_2 = arith.constant 0 : index
    %get3A_3 = arith.constant 0 : index
    %get3A_4 = vector.load %arg1[%get3A_2, %get3A_3] : memref<640x128xf32, #tpu.memory_space<vmem>>, vector<640x128xf32>
    %get3A_5 = arith.constant 0 : index
    %get3A_6 = arith.constant 0 : index
    %get3A_7 = vector.load %arg2[%get3A_5, %get3A_6] : memref<640x128xf32, #tpu.memory_space<vmem>>, vector<640x128xf32>
    %add3A = arith.addf %get3A_4, %get3A_7 : vector<640x128xf32>
    %get3A_8 = arith.constant 0 : index
    %get3A_9 = arith.constant 0 : index
    %get3A_10 = vector.load %arg3[%get3A_8, %get3A_9] : memref<640x128xf32, #tpu.memory_space<vmem>>, vector<640x128xf32>
    %add3A_11 = arith.addf %add3A, %get3A_10 : vector<640x128xf32>
    %mul3A = vector.broadcast %slice3A : vector<640x1xf32> to vector<640x128xf32>
    %mul3A_12 = arith.mulf %add3A_11, %mul3A : vector<640x128xf32>
    %get3A_13 = arith.constant 0 : index
    %get3A_14 = arith.constant 0 : index
    %get3A_15 = vector.load %arg6[%get3A_13, %get3A_14] : memref<1x128xf32, #tpu.memory_space<vmem>>, vector<1x128xf32>
    %add3A_16 = vector.broadcast %get3A_15 : vector<1x128xf32> to vector<640x128xf32>
    %add3A_17 = arith.addf %mul3A_12, %add3A_16 : vector<640x128xf32>
    %max3A = arith.constant 0.000000e+00 : f32
    %max3A_18 = vector.broadcast %max3A : f32 to vector<640x128xf32>
    %max3A_19 = arith.maximumf %add3A_17, %max3A_18 : vector<640x128xf32>
    %get3A_20 = arith.constant 0 : index
    %get3A_21 = arith.constant 0 : index
    %get3A_22 = vector.load %arg5[%get3A_20, %get3A_21] : memref<128x128xf32, #tpu.memory_space<vmem>>, vector<128x128xf32>
    %dot_general3A = arith.constant dense<0.000000e+00> : vector<640x128xf32>
    %dot_general3A_23 = tpu.matmul %max3A_19, %get3A_22, %dot_general3A {dimension_numbers = #tpu.dot_dimension_numbers<[1], [0], [0], [1], [0, 0, 1, 1], [], []>, transpose_lhs_hint = false} : vector<640x128xf32>, vector<128x128xf32>, vector<640x128xf32> -> vector<640x128xf32>
    %mul3A_24 = arith.constant 640 : i32
    %mul3A_25 = arith.muli %arg0, %mul3A_24 : i32
    %iota3A = tpu.iota {dimensions = array<i32: 0>} : vector<640x128xi32>
    %add3A_26 = vector.broadcast %mul3A_25 : i32 to vector<640x128xi32>
    %add3A_27 = arith.addi %add3A_26, %iota3A : vector<640x128xi32>
    %lt3A = arith.constant 10000 : i32
    %lt3A_28 = vector.broadcast %lt3A : i32 to vector<640x128xi32>
    %lt3A_29 = arith.cmpi slt, %add3A_27, %lt3A_28 : vector<640x128xi32>
    %mul3A_30 = vector.broadcast %slice3A : vector<640x1xf32> to vector<640x128xf32>
    %mul3A_31 = arith.mulf %dot_general3A_23, %mul3A_30 : vector<640x128xf32>
    %jit3A = arith.constant 0.000000e+00 : f32
    %broadcast_in_dim3A = vector.broadcast %jit3A : f32 to vector<640x128xf32>
    %select_n3A = arith.select %lt3A_29, %mul3A_31, %broadcast_in_dim3A : vector<640x128xi1>, vector<640x128xf32>
    %swap3A = arith.constant 0 : index
    %swap3A_32 = arith.constant 0 : index
    %swap3A_33 = vector.load %arg7[%swap3A, %swap3A_32] : memref<640x128xf32, #tpu.memory_space<vmem>>, vector<640x128xf32>
    tpu.vector_store %arg7[%swap3A, %swap3A_32], %select_n3A {strides = array<i32>} : memref<640x128xf32, #tpu.memory_space<vmem>>, vector<640x128xf32>,
    return
  }
  func.func @transform_0(%arg0: i32) -> (i32, i32) {
    %c0_i32 = arith.constant 0 : i32
    %c0_i32_0 = arith.constant 0 : i32
    return %arg0, %c0_i32 : i32, i32
  }
  func.func @transform_1(%arg0: i32) -> (i32, i32) {
    %c0_i32 = arith.constant 0 : i32
    %c0_i32_0 = arith.constant 0 : i32
    return %arg0, %c0_i32 : i32, i32
  }
  func.func @transform_2(%arg0: i32) -> (i32, i32) {
    %c0_i32 = arith.constant 0 : i32
    %c0_i32_0 = arith.constant 0 : i32
    return %arg0, %c0_i32 : i32, i32
  }
  func.func @transform_3(%arg0: i32) -> (i32, i32) {
    %c0_i32 = arith.constant 0 : i32
    %c0_i32_0 = arith.constant 0 : i32
    return %arg0, %c0_i32 : i32, i32
  }
  func.func @transform_4(%arg0: i32) -> (i32, i32) {
    %c0_i32 = arith.constant 0 : i32
    %c0_i32_0 = arith.constant 0 : i32
    %c0_i32_1 = arith.constant 0 : i32
    return %c0_i32, %c0_i32_0 : i32, i32
  }
  func.func @transform_5(%arg0: i32) -> (i32, i32) {
    %c0_i32 = arith.constant 0 : i32
    %c0_i32_0 = arith.constant 0 : i32
    %c0_i32_1 = arith.constant 0 : i32
    return %c0_i32, %c0_i32_0 : i32, i32
  }
  func.func @transform_6(%arg0: i32) -> (i32, i32) {
    %c0_i32 = arith.constant 0 : i32
    %c0_i32_0 = arith.constant 0 : i32
    return %arg0, %c0_i32 : i32, i32
  }
}

module attributes {stable_mosaic.version = 14 : i64} {
  func.func @_tc3_body(%arg0: i32, %arg1: memref<640x128xf32, #tpu.memory_space<vmem>>, %arg2: memref<640x128xf32, #tpu.memory_space<vmem>>, %arg3: memref<640x128xf32, #tpu.memory_space<vmem>>, %arg4: memref<640x16xf32, #tpu.memory_space<vmem>>, %arg5: memref<1x128xf32, #tpu.memory_space<vmem>>, %arg6: memref<640x1xi32, #tpu.memory_space<vmem>>, %arg7: memref<128x64xf32, #tpu.memory_space<vmem>>, %arg8: memref<1x64xf32, #tpu.memory_space<vmem>>, %arg9: memref<128x64xf32, #tpu.memory_space<vmem>>, %arg10: memref<1x64xf32, #tpu.memory_space<vmem>>, %arg11: memref<64x64xf32, #tpu.memory_space<vmem>>, %arg12: memref<64x64xf32, #tpu.memory_space<vmem>>, %arg13: memref<64x128xf32, #tpu.memory_space<vmem>>, %arg14: memref<64x128xf32, #tpu.memory_space<vmem>>) attributes {dimension_semantics = [#tpu.dimension_semantics<arbitrary>], iteration_bounds = array<i64: 16>, scalar_prefetch = 0 : i64, scratch_operands = 2 : i64, tpu.core_type = #tpu.core_type<tc>, window_params = [{transform_indices = @transform_0, window_bounds = array<i64: 640, 128>}, {transform_indices = @transform_1, window_bounds = array<i64: 640, 128>}, {transform_indices = @transform_2, window_bounds = array<i64: 640, 128>}, {transform_indices = @transform_3, window_bounds = array<i64: 640, 16>}, {pipeline_mode = #tpu.pipeline_mode<synchronous>, transform_indices = @transform_4, window_bounds = array<i64: 1, 128>}, {transform_indices = @transform_5, window_bounds = array<i64: 640, 1>}, {pipeline_mode = #tpu.pipeline_mode<synchronous>, transform_indices = @transform_6, window_bounds = array<i64: 128, 64>}, {pipeline_mode = #tpu.pipeline_mode<synchronous>, transform_indices = @transform_7, window_bounds = array<i64: 1, 64>}, {pipeline_mode = #tpu.pipeline_mode<synchronous>, transform_indices = @transform_8, window_bounds = array<i64: 128, 64>}, {pipeline_mode = #tpu.pipeline_mode<synchronous>, transform_indices = @transform_9, window_bounds = array<i64: 1, 64>}, {pipeline_mode = #tpu.pipeline_mode<synchronous>, transform_indices = @transform_10, window_bounds = array<i64: 64, 64>}, {pipeline_mode = #tpu.pipeline_mode<synchronous>, transform_indices = @transform_11, window_bounds = array<i64: 64, 64>}]} {
    %eq3A = arith.constant 0 : i32
    %eq3A_0 = arith.cmpi eq, %arg0, %eq3A : i32
    %convert_element_type3A = arith.extui %eq3A_0 : i1 to i32
    %cond3A = arith.constant 0 : i32
    %cond3A_1 = arith.cmpi ne, %convert_element_type3A, %cond3A : i32
    scf.if %cond3A_1 {
      %broadcast_in_dim3A_59 = arith.constant 0.000000e+00 : f32
      %broadcast_in_dim3A_60 = vector.broadcast %broadcast_in_dim3A_59 : f32 to vector<64x128xf32>
      %swap3A_61 = arith.constant 0 : index
      %swap3A_62 = arith.constant 0 : index
      %swap3A_63 = vector.load %arg13[%swap3A_61, %swap3A_62] : memref<64x128xf32, #tpu.memory_space<vmem>>, vector<64x128xf32>
      tpu.vector_store %arg13[%swap3A_61, %swap3A_62], %broadcast_in_dim3A_60 {strides = array<i32>} : memref<64x128xf32, #tpu.memory_space<vmem>>, vector<64x128xf32>,
      %broadcast_in_dim3A_64 = arith.constant 0.000000e+00 : f32
      %broadcast_in_dim3A_65 = vector.broadcast %broadcast_in_dim3A_64 : f32 to vector<64x128xf32>
      %swap3A_66 = arith.constant 0 : index
      %swap3A_67 = arith.constant 0 : index
      %swap3A_68 = vector.load %arg14[%swap3A_66, %swap3A_67] : memref<64x128xf32, #tpu.memory_space<vmem>>, vector<64x128xf32>
      tpu.vector_store %arg14[%swap3A_66, %swap3A_67], %broadcast_in_dim3A_65 {strides = array<i32>} : memref<64x128xf32, #tpu.memory_space<vmem>>, vector<64x128xf32>,
    } else {
    }
    %get3A = arith.constant 0 : index
    %get3A_2 = arith.constant 0 : index
    %get3A_3 = vector.load %arg4[%get3A, %get3A_2] : memref<640x16xf32, #tpu.memory_space<vmem>>, vector<640x16xf32>
    %slice3A = vector.extract_strided_slice %get3A_3 {offsets = [0, 0], sizes = [640, 1], strides = [1, 1]} : vector<640x16xf32> to vector<640x1xf32>
    %get3A_4 = arith.constant 0 : index
    %get3A_5 = arith.constant 0 : index
    %get3A_6 = vector.load %arg1[%get3A_4, %get3A_5] : memref<640x128xf32, #tpu.memory_space<vmem>>, vector<640x128xf32>
    %get3A_7 = arith.constant 0 : index
    %get3A_8 = arith.constant 0 : index
    %get3A_9 = vector.load %arg2[%get3A_7, %get3A_8] : memref<640x128xf32, #tpu.memory_space<vmem>>, vector<640x128xf32>
    %add3A = arith.addf %get3A_6, %get3A_9 : vector<640x128xf32>
    %get3A_10 = arith.constant 0 : index
    %get3A_11 = arith.constant 0 : index
    %get3A_12 = vector.load %arg3[%get3A_10, %get3A_11] : memref<640x128xf32, #tpu.memory_space<vmem>>, vector<640x128xf32>
    %add3A_13 = arith.addf %add3A, %get3A_12 : vector<640x128xf32>
    %mul3A = vector.broadcast %slice3A : vector<640x1xf32> to vector<640x128xf32>
    %mul3A_14 = arith.mulf %add3A_13, %mul3A : vector<640x128xf32>
    %get3A_15 = arith.constant 0 : index
    %get3A_16 = arith.constant 0 : index
    %get3A_17 = vector.load %arg5[%get3A_15, %get3A_16] : memref<1x128xf32, #tpu.memory_space<vmem>>, vector<1x128xf32>
    %add3A_18 = vector.broadcast %get3A_17 : vector<1x128xf32> to vector<640x128xf32>
    %add3A_19 = arith.addf %mul3A_14, %add3A_18 : vector<640x128xf32>
    %max3A = arith.constant 0.000000e+00 : f32
    %max3A_20 = vector.broadcast %max3A : f32 to vector<640x128xf32>
    %max3A_21 = arith.maximumf %add3A_19, %max3A_20 : vector<640x128xf32>
    %mul3A_22 = arith.constant 640 : i32
    %mul3A_23 = arith.muli %arg0, %mul3A_22 : i32
    %iota3A = tpu.iota {dimensions = array<i32: 0>} : vector<640x64xi32>
    %add3A_24 = vector.broadcast %mul3A_23 : i32 to vector<640x64xi32>
    %add3A_25 = arith.addi %add3A_24, %iota3A : vector<640x64xi32>
    %iota3A_26 = tpu.iota {dimensions = array<i32: 1>} : vector<640x64xi32>
    %get3A_27 = arith.constant 0 : index
    %get3A_28 = arith.constant 0 : index
    %get3A_29 = vector.load %arg6[%get3A_27, %get3A_28] : memref<640x1xi32, #tpu.memory_space<vmem>>, vector<640x1xi32>
    %eq3A_30 = vector.broadcast %get3A_29 : vector<640x1xi32> to vector<640x64xi32>
    %eq3A_31 = arith.cmpi eq, %eq3A_30, %iota3A_26 : vector<640x64xi32>
    %lt3A = arith.constant 10000 : i32
    %lt3A_32 = vector.broadcast %lt3A : i32 to vector<640x64xi32>
    %lt3A_33 = arith.cmpi slt, %add3A_25, %lt3A_32 : vector<640x64xi32>
    %and3A = arith.andi %eq3A_31, %lt3A_33 : vector<640x64xi1>
    %jit3A = arith.constant 1.000000e+00 : f32
    %jit3A_34 = arith.constant 0.000000e+00 : f32
    %broadcast_in_dim3A = vector.broadcast %jit3A : f32 to vector<640x64xf32>
    %broadcast_in_dim3A_35 = vector.broadcast %jit3A_34 : f32 to vector<640x64xf32>
    %select_n3A = arith.select %and3A, %broadcast_in_dim3A, %broadcast_in_dim3A_35 : vector<640x64xi1>, vector<640x64xf32>
    %get3A_36 = arith.constant 0 : index
    %get3A_37 = arith.constant 0 : index
    %get3A_38 = vector.load %arg13[%get3A_36, %get3A_37] : memref<64x128xf32, #tpu.memory_space<vmem>>, vector<64x128xf32>
    %dot_general3A = arith.constant dense<0.000000e+00> : vector<64x128xf32>
    %dot_general3A_39 = tpu.matmul %select_n3A, %max3A_21, %dot_general3A {dimension_numbers = #tpu.dot_dimension_numbers<[0], [0], [1], [1], [0, 1, 1, 1], [], []>, transpose_lhs_hint = false} : vector<640x64xf32>, vector<640x128xf32>, vector<64x128xf32> -> vector<64x128xf32>
    %add3A_40 = arith.addf %get3A_38, %dot_general3A_39 : vector<64x128xf32>
    %swap3A = arith.constant 0 : index
    %swap3A_41 = arith.constant 0 : index
    %swap3A_42 = vector.load %arg13[%swap3A, %swap3A_41] : memref<64x128xf32, #tpu.memory_space<vmem>>, vector<64x128xf32>
    tpu.vector_store %arg13[%swap3A, %swap3A_41], %add3A_40 {strides = array<i32>} : memref<64x128xf32, #tpu.memory_space<vmem>>, vector<64x128xf32>,
    %broadcast_in_dim3A_43 = arith.constant 1.000000e+00 : f32
    %broadcast_in_dim3A_44 = vector.broadcast %broadcast_in_dim3A_43 : f32 to vector<640x128xf32>
    %get3A_45 = arith.constant 0 : index
    %get3A_46 = arith.constant 0 : index
    %get3A_47 = vector.load %arg14[%get3A_45, %get3A_46] : memref<64x128xf32, #tpu.memory_space<vmem>>, vector<64x128xf32>
    %dot_general3A_48 = arith.constant dense<0.000000e+00> : vector<64x128xf32>
    %dot_general3A_49 = tpu.matmul %select_n3A, %broadcast_in_dim3A_44, %dot_general3A_48 {dimension_numbers = #tpu.dot_dimension_numbers<[0], [0], [1], [1], [0, 1, 1, 1], [], []>, transpose_lhs_hint = false} : vector<640x64xf32>, vector<640x128xf32>, vector<64x128xf32> -> vector<64x128xf32>
    %add3A_50 = arith.addf %get3A_47, %dot_general3A_49 : vector<64x128xf32>
    %swap3A_51 = arith.constant 0 : index
    %swap3A_52 = arith.constant 0 : index
    %swap3A_53 = vector.load %arg14[%swap3A_51, %swap3A_52] : memref<64x128xf32, #tpu.memory_space<vmem>>, vector<64x128xf32>
    tpu.vector_store %arg14[%swap3A_51, %swap3A_52], %add3A_50 {strides = array<i32>} : memref<64x128xf32, #tpu.memory_space<vmem>>, vector<64x128xf32>,
    %eq3A_54 = arith.constant 15 : i32
    %eq3A_55 = arith.cmpi eq, %arg0, %eq3A_54 : i32
    %convert_element_type3A_56 = arith.extui %eq3A_55 : i1 to i32
    %cond3A_57 = arith.constant 0 : i32
    %cond3A_58 = arith.cmpi ne, %convert_element_type3A_56, %cond3A_57 : i32
    scf.if %cond3A_58 {
      %get3A_59 = arith.constant 0 : index
      %get3A_60 = arith.constant 0 : index
      %get3A_61 = vector.load %arg13[%get3A_59, %get3A_60] : memref<64x128xf32, #tpu.memory_space<vmem>>, vector<64x128xf32>
      %get3A_62 = arith.constant 0 : index
      %get3A_63 = arith.constant 0 : index
      %get3A_64 = vector.load %arg14[%get3A_62, %get3A_63] : memref<64x128xf32, #tpu.memory_space<vmem>>, vector<64x128xf32>
      %max3A_65 = arith.constant 1.000000e+00 : f32
      %max3A_66 = vector.broadcast %max3A_65 : f32 to vector<64x128xf32>
      %max3A_67 = arith.maximumf %get3A_64, %max3A_66 : vector<64x128xf32>
      %div3A = arith.divf %get3A_61, %max3A_67 : vector<64x128xf32>
      %get3A_68 = arith.constant 0 : index
      %get3A_69 = arith.constant 0 : index
      %get3A_70 = vector.load %arg7[%get3A_68, %get3A_69] : memref<128x64xf32, #tpu.memory_space<vmem>>, vector<128x64xf32>
      %dot_general3A_71 = arith.constant dense<0.000000e+00> : vector<64x64xf32>
      %dot_general3A_72 = tpu.matmul %div3A, %get3A_70, %dot_general3A_71 {dimension_numbers = #tpu.dot_dimension_numbers<[1], [0], [0], [1], [0, 0, 1, 1], [], []>, transpose_lhs_hint = false} : vector<64x128xf32>, vector<128x64xf32>, vector<64x64xf32> -> vector<64x64xf32>
      %get3A_73 = arith.constant 0 : index
      %get3A_74 = arith.constant 0 : index
      %get3A_75 = vector.load %arg8[%get3A_73, %get3A_74] : memref<1x64xf32, #tpu.memory_space<vmem>>, vector<1x64xf32>
      %add3A_76 = vector.broadcast %get3A_75 : vector<1x64xf32> to vector<64x64xf32>
      %add3A_77 = arith.addf %dot_general3A_72, %add3A_76 : vector<64x64xf32>
      %swap3A_78 = arith.constant 0 : index
      %swap3A_79 = arith.constant 0 : index
      %swap3A_80 = vector.load %arg11[%swap3A_78, %swap3A_79] : memref<64x64xf32, #tpu.memory_space<vmem>>, vector<64x64xf32>
      tpu.vector_store %arg11[%swap3A_78, %swap3A_79], %add3A_77 {strides = array<i32>} : memref<64x64xf32, #tpu.memory_space<vmem>>, vector<64x64xf32>,
      %get3A_81 = arith.constant 0 : index
      %get3A_82 = arith.constant 0 : index
      %get3A_83 = vector.load %arg9[%get3A_81, %get3A_82] : memref<128x64xf32, #tpu.memory_space<vmem>>, vector<128x64xf32>
      %dot_general3A_84 = arith.constant dense<0.000000e+00> : vector<64x64xf32>
      %dot_general3A_85 = tpu.matmul %div3A, %get3A_83, %dot_general3A_84 {dimension_numbers = #tpu.dot_dimension_numbers<[1], [0], [0], [1], [0, 0, 1, 1], [], []>, transpose_lhs_hint = false} : vector<64x128xf32>, vector<128x64xf32>, vector<64x64xf32> -> vector<64x64xf32>
      %get3A_86 = arith.constant 0 : index
      %get3A_87 = arith.constant 0 : index
      %get3A_88 = vector.load %arg10[%get3A_86, %get3A_87] : memref<1x64xf32, #tpu.memory_space<vmem>>, vector<1x64xf32>
      %add3A_89 = vector.broadcast %get3A_88 : vector<1x64xf32> to vector<64x64xf32>
      %add3A_90 = arith.addf %dot_general3A_85, %add3A_89 : vector<64x64xf32>
      %exp3A = math.exp %add3A_90 : vector<64x64xf32>
      %swap3A_91 = arith.constant 0 : index
      %swap3A_92 = arith.constant 0 : index
      %swap3A_93 = vector.load %arg12[%swap3A_91, %swap3A_92] : memref<64x64xf32, #tpu.memory_space<vmem>>, vector<64x64xf32>
      tpu.vector_store %arg12[%swap3A_91, %swap3A_92], %exp3A {strides = array<i32>} : memref<64x64xf32, #tpu.memory_space<vmem>>, vector<64x64xf32>,
    } else {
    }
    return
  }
  func.func @transform_0(%arg0: i32) -> (i32, i32) {
    %c0_i32 = arith.constant 0 : i32
    %c0_i32_0 = arith.constant 0 : i32
    return %arg0, %c0_i32 : i32, i32
  }
  func.func @transform_1(%arg0: i32) -> (i32, i32) {
    %c0_i32 = arith.constant 0 : i32
    %c0_i32_0 = arith.constant 0 : i32
    return %arg0, %c0_i32 : i32, i32
  }
  func.func @transform_2(%arg0: i32) -> (i32, i32) {
    %c0_i32 = arith.constant 0 : i32
    %c0_i32_0 = arith.constant 0 : i32
    return %arg0, %c0_i32 : i32, i32
  }
  func.func @transform_3(%arg0: i32) -> (i32, i32) {
    %c0_i32 = arith.constant 0 : i32
    %c0_i32_0 = arith.constant 0 : i32
    return %arg0, %c0_i32 : i32, i32
  }
  func.func @transform_4(%arg0: i32) -> (i32, i32) {
    %c0_i32 = arith.constant 0 : i32
    %c0_i32_0 = arith.constant 0 : i32
    %c0_i32_1 = arith.constant 0 : i32
    return %c0_i32, %c0_i32_0 : i32, i32
  }
  func.func @transform_5(%arg0: i32) -> (i32, i32) {
    %c0_i32 = arith.constant 0 : i32
    %c0_i32_0 = arith.constant 0 : i32
    return %arg0, %c0_i32 : i32, i32
  }
  func.func @transform_6(%arg0: i32) -> (i32, i32) {
    %c0_i32 = arith.constant 0 : i32
    %c0_i32_0 = arith.constant 0 : i32
    %c0_i32_1 = arith.constant 0 : i32
    return %c0_i32, %c0_i32_0 : i32, i32
  }
  func.func @transform_7(%arg0: i32) -> (i32, i32) {
    %c0_i32 = arith.constant 0 : i32
    %c0_i32_0 = arith.constant 0 : i32
    %c0_i32_1 = arith.constant 0 : i32
    return %c0_i32, %c0_i32_0 : i32, i32
  }
  func.func @transform_8(%arg0: i32) -> (i32, i32) {
    %c0_i32 = arith.constant 0 : i32
    %c0_i32_0 = arith.constant 0 : i32
    %c0_i32_1 = arith.constant 0 : i32
    return %c0_i32, %c0_i32_0 : i32, i32
  }
  func.func @transform_9(%arg0: i32) -> (i32, i32) {
    %c0_i32 = arith.constant 0 : i32
    %c0_i32_0 = arith.constant 0 : i32
    %c0_i32_1 = arith.constant 0 : i32
    return %c0_i32, %c0_i32_0 : i32, i32
  }
  func.func @transform_10(%arg0: i32) -> (i32, i32) {
    %c0_i32 = arith.constant 0 : i32
    %c0_i32_0 = arith.constant 0 : i32
    %c0_i32_1 = arith.constant 0 : i32
    return %c0_i32, %c0_i32_0 : i32, i32
  }
  func.func @transform_11(%arg0: i32) -> (i32, i32) {
    %c0_i32 = arith.constant 0 : i32
    %c0_i32_0 = arith.constant 0 : i32
    %c0_i32_1 = arith.constant 0 : i32
    return %c0_i32, %c0_i32_0 : i32, i32
  }
}

</mosaic_0001>

<sc_bundles>
// kernel: kernel.10.cloned.1.call-start
scs
__scs_entry_jumppad:
0x0: {  	(pc) =	sbr.rel $0x88, $3  }
0x1: {  	(tag) =	ssettag $0x0;
	lr =	simm.s32 $0x1  }
0x2: {  	[smem:$0x3F96] =	sst lr;
	_ =	strace $0xD0000000  }
0x3: {  	_ = 	snop  }
0x4: {  	_ = 	snop  }
0x5: {  	_ = 	snop  }
0x6: {  	_ = 	snop  }
0x7: {  	_ = 	snop  }
__scs_overlays_trampoline_lowered:
0x8: {  	[smem:$0x3FA5] =	sst s0  }
0x9: {  	[smem:$0x3FA6] =	sst s1  }
0xa: {  	[smem:$0x3FA7] =	sst s2  }
0xb: {  	[smem:$0x3FA8] =	sst s3  }
0xc: {  	[smem:$0x3FA9] =	sst s4  }
0xd: {  	[smem:$0x3FAA] =	sst s5  }
0xe: {  	[smem:$0x3FAB] =	sst s6  }
0xf: {  	[smem:$0x3FAC] =	sst s7  }
0x10: {  	[smem:$0x3FAD] =	sst s8  }
0x11: {  	[smem:$0x3FAE] =	sst s9;
	s0 =	simm.s32 @!p0 $0x0  }
0x12: {  	s1 =	sld [smem:$0x3F94];
	s0 =	simm.s32 @p0 $0x1  }
0x13: {  	[smem:$0x3FAF] =	sst s0;
	s0 =	simm.s32 @!p1 $0x0  }
0x14: {  	s2 =	sld [smem:$0x3F93];
	s0 =	simm.s32 @p1 $0x1  }
0x15: {  	[smem:$0x3FB0] =	sst s0;
	s0 =	simm.s32 @!p2 $0x0  }
0x16: {  	s3 =	sld [smem:$0x3FDB];
	s0 =	simm.s32 @p2 $0x1  }
0x17: {  	s4 =	simm.s32 $0x1BF5;
	[smem:$0x3FB2] =	sst s0  }
0x18: {  	s0 =	sld [smem:$0x3F95];
	_ =	swait.ge [sflag:s4], $0x0  }
0x19: {  	s7 =	sld [smem:$0x3F96]  }
0x1a: {  	s8 =	sadd.s32 $0xFFFFE003, lr  }
0x1b: {  	s9 =	sadd.s32 $0xFFFFFEF7, lr;
	s5 =	simm.s32 $0xFFFFFFFF;
	p2 =	slt.u32 s8, $0xFFFFF086  }
0x1c: {  	p1 =	slt.u32 s9, $0xF7A;
	s5 =	simm.s32 @!p2 $0x0  }
0x1d: {  	s5 =	simm.s32 @p1 $0x1;
	p0 =	seq.s32 s7, s2  }
0x1e: {  	s7 =	smul.u32 @!p0 $0xF7A, s2;
	p2 =	seq.s32 @!p0 s5, $0x0  }
0x1f: {  	s9 =	smul.u32 $0xF7A, s1;
	s8 =	simm.s32 @!p0 $0x1BF5;
	p2 =	por !p2, p0  }
0x20: {  	[sflag:s8] =	ssyncset.s32 @!p0 $0xFFFFF086;
	s6 =	sadd.s32 @!p0 s3, s7;
	s7 =	simm.s32 @!p0 $0x108  }
0x21: {  	s3 =	sadd.s32 s3, s9;
	s6 =	sadd.s32 @!p0 $0x88, s6;
	s7 =	simm.s32 @p2 $0x1082  }
0x22: {  	[simem:s7], [sflag:s8] =	dma.local @!p0 [hbm:s6], $0xF7A  }
0x23: {  	s9 =	sor.u32 $0xD0000000, s2;
	s6 =	simm.s32 $0x108;
	_ =	swait.ge @!p0 [sflag:s8], $0x0  }
0x24: {  	s3 =	sadd.s32 $0x88, s3;
	s6 =	simm.s32 @!p1 $0x1082;
	[sflag:s4] =	ssyncset.s32 $0xFFFFF086  }
0x25: {  	[simem:s6], [sflag:s4] =	dma.local [hbm:s3], $0xF7A  }
0x26: {  	[smem:$0x3F96] =	sst s1;
	(tag) =	ssettag s2;
	_ =	strace s9  }
0x27: {  	s1 =	sld [smem:$0x3FA6]  }
0x28: {  	s2 =	sld [smem:$0x3FA7]  }
0x29: {  	s4 =	sld [smem:$0x3FA9]  }
0x2a: {  	p0 =	seq.s32 s5, $0x0;
	s5 =	sld [smem:$0x3FAA]  }
0x2b: {  	s6 =	sld [smem:$0x3FAB]  }
0x2c: {  	s7 =	sld [smem:$0x3FAC]  }
0x2d: {  	s3 =	simm.s32 $0x108;
	s8 =	sld [smem:$0x3FAD]  }
0x2e: {  	s3 =	simm.s32 @!p0 $0x1082;
	s9 =	sld [smem:$0x3FAE]  }
0x2f: {  	lr =	sadd.s32 s0, s3;
	s0 =	sld [smem:$0x3FA5]  }
0x30: {  	s3 =	sld [smem:$0x3FA8]  }
0x31: {  	[smem:$0x3FB1] =	sst s10  }
0x32: {  	s10 =	sld [smem:$0x3FAF];
	_ =	sdelay $0x3  }
0x33: {  	p0 =	seq.s32 s10, $0x1;
	s10 =	sld [smem:$0x3FB1];
	_ =	sdelay $0x3  }
0x34: {  	[smem:$0x3FB1] =	sst s10  }
0x35: {  	s10 =	sld [smem:$0x3FB0];
	_ =	sdelay $0x3  }
0x36: {  	p1 =	seq.s32 s10, $0x1;
	s10 =	sld [smem:$0x3FB1];
	_ =	sdelay $0x3  }
0x37: {  	[smem:$0x3FB1] =	sst s10  }
0x38: {  	s10 =	sld [smem:$0x3FB2]  }
0x39: {  	_ = 	snop;
	(pc) =	sbr.ind lr, $3  }
0x3a: {  	_ = 	snop  }
0x3b: {  	_ = 	snop  }
0x3c: {  	p2 =	seq.s32 s10, $0x1;
	s10 =	sld [smem:$0x3FB1]  }
0x3d: {  	_ =	shalt  }
0x3e: {  	_ =	shalt  }
0x3f: {  	_ =	shalt  }
0x40: {  	_ =	shalt  }
0x41: {  	_ =	shalt  }
0x42: {  	_ =	shalt  }
0x43: {  	_ =	shalt  }
0x44: {  	_ =	shalt  }
0x45: {  	_ =	shalt  }
0x46: {  	_ =	shalt  }
0x47: {  	_ =	shalt  }
0x48: {  	_ =	shalt  }
0x49: {  	_ =	shalt  }
0x4a: {  	_ =	shalt  }
0x4b: {  	_ =	shalt  }
0x4c: {  	_ =	shalt  }
0x4d: {  	_ =	shalt  }
0x4e: {  	_ =	shalt  }
0x4f: {  	_ =	shalt  }
0x50: {  	_ =	shalt  }
0x51: {  	_ =	shalt  }
0x52: {  	_ =	shalt  }
0x53: {  	_ =	shalt  }
0x54: {  	_ =	shalt  }
0x55: {  	_ =	shalt  }
0x56: {  	_ =	shalt  }
0x57: {  	_ =	shalt  }
0x58: {  	_ =	shalt  }
0x59: {  	_ =	shalt  }
0x5a: {  	_ =	shalt  }
0x5b: {  	_ =	shalt  }
0x5c: {  	_ =	shalt  }
0x5d: {  	_ =	shalt  }
0x5e: {  	_ =	shalt  }
0x5f: {  	_ =	shalt  }
0x60: {  	_ =	shalt  }
0x61: {  	_ =	shalt  }
0x62: {  	_ =	shalt  }
0x63: {  	_ =	shalt  }
0x64: {  	_ =	shalt  }
0x65: {  	_ =	shalt  }
0x66: {  	_ =	shalt  }
0x67: {  	_ =	shalt  }
0x68: {  	_ =	shalt  }
0x69: {  	_ =	shalt  }
0x6a: {  	_ =	shalt  }
0x6b: {  	_ =	shalt  }
0x6c: {  	_ =	shalt  }
0x6d: {  	_ =	shalt  }
0x6e: {  	_ =	shalt  }
0x6f: {  	_ =	shalt  }
0x70: {  	_ =	shalt  }
0x71: {  	_ =	shalt  }
0x72: {  	_ =	shalt  }
0x73: {  	_ =	shalt  }
0x74: {  	_ =	shalt  }
0x75: {  	_ =	shalt  }
0x76: {  	_ =	shalt  }
0x77: {  	_ =	shalt  }
0x78: {  	_ =	shalt  }
0x79: {  	_ =	shalt  }
0x7a: {  	_ =	shalt  }
0x7b: {  	_ =	shalt  }
0x7c: {  	_ =	shalt  }
0x7d: {  	_ =	shalt  }
0x7e: {  	_ =	shalt  }
0x7f: {  	_ =	shalt  }
0x80: {  	_ =	shalt  }
0x81: {  	_ =	shalt  }
0x82: {  	_ =	shalt  }
0x83: {  	_ =	shalt  }
0x84: {  	_ =	shalt  }
0x85: {  	_ =	shalt  }
0x86: {  	_ =	shalt  }
0x87: {  	_ =	shalt  }
.Lfunc_end0:
.L_simem_size_0:
called_computation.1_lowered:
.L_overlay_start_0:
0x88: {  	s2 =	sld [smem:$0x3FD9]  }
0x89: {  	s3 =	sld [smem:$0x3FFE];
	_ =	sdelay $0x1  }
0x8a: {  	s1 =	srdreg.scid  }
0x8b: {  	s0 =	sand.u32 $0x1, s1  }
0x8c: {  	s16 =	sshll.u32 s0, $0xA;
	s2 =	sadd.s32 s3, s2  }
0x8d: {  	s2 =	sadd.s32 s2, s16  }
0x8e: {  	[smem:$0x3FBD] =	sst s2  }
0x8f: {  	_ = 	snop  }
0x90: {  	(tm) =	ssettm $0x1  }
0x91: {  	s17 =	sld [smem:$0x3FFB];
	_ =	sdelay $0x3  }
0x92: {  	_ =	strace s17  }
0x93: {  	s2 =	sld [smem:$0x3FFC];
	_ =	sdelay $0x3  }
0x94: {  	_ =	strace s2  }
0x95: {  	s2 =	sld [smem:$0x3FFD];
	_ =	sdelay $0x3  }
0x96: {  	_ =	strace s2  }
0x97: {  	_ =	strace $0x8FFFFFFF  }
0x98: {  	s18 =	sld [smem:$0x3FDB];
	_ =	sdelay $0x1  }
0x99: {  	s19 =	simm.s32 $_scs_section_size  }
0x9a: {  	s4 =	simm.s32 $_size__tile_overlayer_lowered;
	s5 =	simm.s32 $_tile_overlayer_lowered  }
0x9b: {  	s22 =	simm.s32 $0x1BFF;
	s21 =	sshll.u32 s5, $0x1;
	s2 =	sadd.s32 s19, s18  }
0x9c: {  	s6 =	simm.s32 $0x0;
	s20 =	sshll.u32 s4, $0x1;
	s4 =	sadd.s32 s21, s2  }
0x9d: {  	[timem:s6], [sflag:s22] =	dma.local [hbm:s4], s20  }
0x9e: {  	_ =	swait.ge [sflag:s22], s20  }
0x9f: {  	s3 =	ssub.s32 $0x0, s20;
	[sflag:s22] =	ssyncset.done $0x0  }
0xa0: {  	[sflag:s22] =	ssyncadd.s32 s3;
	_ =	sdelay $0x1  }
0xa1: {  	s23 =	simm.s32 $0x1B8B  }
0xa2: {  	_ =	swait.ge [sflag:s23], $0x1  }
0xa3: {  	[sflag:s23] =	ssyncset.done $0x0  }
0xa4: {  	s25 =	simm.s32 $0x1B8E;
	s24 =	sld [smem:$0x3FFE];
	[sflag:s23] =	ssyncadd.s32 $0xFFFFFFFF  }
0xa5: {  	s26 =	simm.s32 $execute0_lowered;
	[smem:$0x3FD2] =	sst s25  }
0xa6: {  	s4 =	sshll.u32 s26, $0x1;
	_ =	strace $0x80000049;
	[dreg:$0x1] =	wrdreg $0xFFFFFFFF  }
0xa7: {  	s28 =	simm.s32 $_size_execute0_lowered;
	s2 =	sadd.s32 s2, s4;
	[dreg:$0x0] =	wrdreg $0x0  }
0xa8: {  	s4 =	sshll.u32 s28, $0x1;
	[dreg:$0x2] =	wrdreg s2  }
0xa9: {  	[dreg:$0x3] =	wrdreg s4  }
0xaa: {  	[dreg:$0x4] =	wrdreg $0xC0  }
0xab: {  	_ =	task [dreg:s6], $0x5FFFF  }
0xac: {  	[dreg:$0x1] =	wrdreg $0xFFFFFFFF  }
0xad: {  	[dreg:$0x0] =	wrdreg $0x60  }
0xae: {  	[dreg:$0x2] =	wrdreg s24  }
0xaf: {  	[dreg:$0x3] =	wrdreg $0x0  }
0xb0: {  	[dreg:$0x4] =	wrdreg $0x9  }
0xb1: {  	_ =	task.clear_ibuf [dreg:s6], $0x5FFFF;
	_ =	strace $0x90000049  }
0xb2: {  	s29 =	simm.s32 $0x9;
	_ =	strace $0x8000004B  }
0xb3: {  	_ =	swait.ge [sflag:s29], $0x1  }
0xb4: {  	[sflag:s29] =	ssyncadd.s32 $0xFFFFFFFF  }
0xb5: {  	_ =	strace $0x9000004B  }
0xb6: {  	_ =	sfence  }
0xb7: {  	s30 =	sld [smem:$0x0];
	_ =	sdelay $0x2  }
0xb8: {  	s31 =	sshll.u32 s1, $0xD;
	s1 =	sshrl.u32 s1, $0x2  }
0xb9: {  	s3 =	sand.u32 $0x4000, s31;
	s1 =	sadd.s32 s1, s30  }
0xba: {  	s0 =	sor.u32 s3, s0;
	s1 =	sshll.u32 s1, $0x11  }
0xbb: {  	s0 =	sor.u32 s1, s0  }
0xbc: {  	s0 =	sadd.s32 $0x8F2B, s0  }
0xbd: {  	[sflag:s0] =	ssyncadd.remote.s32 $0x1  }
0xbe: {  	_ =	sfence.sel $0xFFFF  }
0xbf: {  	[dreg:$0x0] =	wrdreg $0xFFFFFFFF;
	(pc) =	sbr.abs _section_cstart, $3  }
0xc0: {  	[dreg:$0x1] =	wrdreg $0xFFFFFFFF  }
0xc1: {  	_ =	task.clear_ibuf [dreg:s6], $0x2FFFF;
	_ =	strace $0x9FFFFFFF  }
0xc2: {  	(tm) =	ssettm $0x7FFFFFFF  }
0xc3: {  	_ =	shalt  }
tec
execute0_lowered:
.L_overlay_start_1:
0x0: {  	(tag) =	ssettag $0x1  }
0x1: {  	s0 =	srdreg.scid  }
0x2: {  	s13 =	stileid.u32;
	s5 =	rddreg [dreg:$0x0]  }
0x3: {  	s2 =	rddreg [dreg:$0x1];
	s3 =	simm.s32 $0x0;
	s14 =	simm.s32 $0x5  }
0x4: {  	s16 =	simm.s32 $0x16800;
	s17 =	simm.s32 $0x16A00;
	s18 =	simm.s32 $0x80  }
0x5: {  	s19 =	simm.s32 $0x16C00;
	s20 =	simm.s32 $0x16880;
	s28 =	simm.s32 $0x16A80  }
0x6: {  	s29 =	simm.s32 $0x16B00;
	s30 =	simm.s32 $0x16B80;
	s31 =	simm.s32 $0x1  }
0x7: {  	s0 =	sand.u32 $0x1, s0;
	s1 =	sshll.u32 s13, $0x1;
	s7 =	smul.u32 $0x14000, s13  }
0x8: {  	[smem:$0x7FF] =	sst s3;
	s4 =	sadd.s32 $0x17800, s5;
	s22 =	smul.u32 $0x50000, s13  }
0x9: {  	s21 =	sadd.s32 $0x67800, s5;
	s9 =	smul.u32 $0x5000, s13;
	s24 =	sshll.u32 s13, $0x6  }
0xa: {  	s1 =	sor.u32 s0, s1;
	s6 =	smul.u32 $0x140000, s0;
	_ =	strace $0x8000004A  }
0xb: {  	[dreg:$0x3] =	wrdreg s21;
	s23 =	ssub.s32 $0x2, s0;
	s0 =	smul.u32 $0x2800, s0  }
0xc: {  	s21 =	simm.s32 $0x1AC00;
	s1 =	smul.u32 $0x2800, s1;
	s11 =	sshrl.u32 s23, $0x1  }
0xd: {  	s6 =	sadd.s32 s7, s6;
	s7 =	sshrl.u32 s22, $0x2;
	s11 =	ssub.s32 s23, s11  }
0xe: {  	s0 =	sadd.s32 s0, s9;
	s22 =	simm.s32 $0x3;
	s23 =	simm.s32 $0x16900  }
0xf: {  	s1 =	sshrl.u32 s1, $0x3;
	s6 =	sshrl.u32 s6, $0x3;
	s12 =	sadd.s32 s7, s2  }
0x10: {  	s0 =	sor.u32 $0x400, s0;
	s11 =	smax.u32 s11, $0x1;
	s8 =	sadd.s32 s1, s5  }
0x11: {  	s10 =	sadd.s32 s6, s5;
	s6 =	sor.u32 $0x1C05, s24;
	s5 =	sadd.s32 $0x3840, s5  }
.Ltmp0:
0x12: {  	s0 =	sshrl.u32 s0, $0x3;
	s25 =	sadd.s32 $0xD800, s8;
	(pc) =	sbr.rel .LBB2_1-.Ltmp0, $4  }
0x13: {  	s13 =	sshrl.u32 s12, $0x3;
	s26 =	sadd.s32 $0x3800, s8;
	[dreg:$0x4] =	wrdreg s25  }
0x14: {  	s24 =	simm.s32 $0x4;
	s1 =	sadd.s32 s1, s5;
	[dreg:$0x5] =	wrdreg s26  }
0x15: {  	s10 =	sadd.s32 $0x6A000, s10;
	s15 =	sadd.s32 s0, s5;
	[dreg:$0x6] =	wrdreg s1  }
0x16: {  	s25 =	simm.s32 $0x16980;
	s26 =	simm.s32 $0x2;
	s1 =	simm.s32 $0x0  }
.LBB2_4:
0x17: {  	_ =	swait.ge [sflag:s24], $0x4000  }
0x18: {  	[sflag:s24] =	ssyncset.done $0x0  }
0x19: {  	[sflag:s24] =	ssyncadd.s32 $0xFFFFC000  }
0x1a: {  	[spmem:s2] =	stream.indirect.scatter.add.f32 [tilespmem:s21], [sflag:$0x5], $0x80, s5, s18, $0xb8;
	[tilespmem:$0x1EC00] =	vst v63  }
0x1b: {  	_ =	swait.ge [sflag:s14], $0x4000  }
0x1c: {  	s1 =	sadd.s32 $0x1, s1;
	[sflag:s14] =	ssyncset.done $0x0  }
0x1d: {  	p0 =	sne.s32 s1, s11;
	[sflag:s14] =	ssyncadd.s32 $0xFFFFC000  }
.Ltmp1:
0x1e: {  	[bflag:$0x0] =	sbarrier.arrive $0xFFFF;
	(pc) =	sbr.rel @!p0 .LBB2_5-.Ltmp1, $4  }
0x1f: {  	[hbm:s10], [sflag:s6] =	dma.local [spmem:s13], $0x2800  }
0x20: {  	_ =	swait.ge [sflag:s14], $0x2800  }
0x21: {  	[sflag:s14] =	ssyncset.done $0x0  }
0x22: {  	[sflag:s14] =	ssyncadd.s32 $0xFFFFD800  }
.LBB2_1:
0x23: {  	s0 =	rddreg [dreg:$0x3]  }
0x24: {  	[spmem:s13], [sflag:s6] =	dma.local [hbm:s0], $0x2800  }
0x25: {  	_ =	swait.ge [sflag:s14], $0x2800  }
0x26: {  	[sflag:s14] =	ssyncset.done $0x0  }
0x27: {  	s5 =	simm.s32 $0x14000;
	s8 =	rddreg [dreg:$0x4];
	[sflag:s14] =	ssyncadd.s32 $0xFFFFD800  }
0x28: {  	[tilespmem:s5], [sflag:$0x5] =	stream.linear.gather [hbm4b:s8+s3], $0x2800, $0x38;
	[tilespmem:$0x1EC00] =	vst v63  }
0x29: {  	_ =	swait.ge [sflag:s14], $0x2800  }
0x2a: {  	[sflag:s14] =	ssyncset.done $0x0  }
0x2b: {  	s9 =	rddreg [dreg:$0x5];
	[sflag:s14] =	ssyncadd.s32 $0xFFFFD800  }
0x2c: {  	[tilespmem:s16], [sflag:$0x5] =	stream.linear.gather [hbm4b:s9+s3], $0x200, $0x38;
	[tilespmem:$0x1EC00] =	vst v63  }
0x2d: {  	_ =	swait.ge [sflag:s14], $0x200  }
0x2e: {  	[sflag:s14] =	ssyncset.done $0x0  }
0x2f: {  	[sflag:s14] =	ssyncadd.s32 $0xFFFFFE00  }
0x30: {  	[bflag:$0x0] =	sbarrier.arrive $0xFFFF  }
0x31: {  	s12 =	rddreg [dreg:$0x6]  }
0x32: {  	[tilespmem:s17], [sflag:$0x2] =	stream.linear.gather [hbm4b:s12+s3], $0x200, $0x38;
	[tilespmem:$0x1EC00] =	vst v63  }
0x33: {  	s0 =	simm.s32 $0x0;
	s12 =	smov.u32 s15  }
0x34: {  	[tilespmem:s19], [sflag:$0x3] =	stream.indirect.gather [hbm4b:s4+s18], $0x80, s16, s18, $0xb8;
	[tilespmem:$0x1EC00] =	vst v63  }
.LBB2_2:
0x35: {  	[tilespmem:s21], [sflag:$0x4] =	stream.indirect.gather [hbm4b:s4+s18], $0x80, s20, s18, $0xb8;
	[tilespmem:$0x1EC00] =	vst v63  }
0x36: {  	_ =	swait.ge [sflag:s22], $0x4000  }
0x37: {  	s5 =	sshra.s32 s0, $0x2;
	[sflag:s22] =	ssyncset.done $0x0  }
0x38: {  	s7 =	sadd.s32 $0x14000, s5;
	[sflag:s22] =	ssyncadd.s32 $0xFFFFC000  }
0x39: {  	[spmem:s2] =	stream.indirect.scatter.add.f32 [tilespmem:s19], [sflag:$0x5], $0x80, s7, s18, $0xb8;
	[tilespmem:$0x1EC00] =	vst v63  }
0x3a: {  	_ =	swait.ge [sflag:s14], $0x4000  }
0x3b: {  	[sflag:s14] =	ssyncset.done $0x0  }
0x3c: {  	[sflag:s14] =	ssyncadd.s32 $0xFFFFC000  }
0x3d: {  	[tilespmem:s19], [sflag:$0x3] =	stream.indirect.gather [hbm4b:s4+s18], $0x80, s23, s18, $0xb8;
	[tilespmem:$0x1EC00] =	vst v63  }
0x3e: {  	_ =	swait.ge [sflag:s24], $0x4000  }
0x3f: {  	[sflag:s24] =	ssyncset.done $0x0  }
0x40: {  	s8 =	sadd.s32 $0x14080, s5;
	[sflag:s24] =	ssyncadd.s32 $0xFFFFC000  }
0x41: {  	[spmem:s2] =	stream.indirect.scatter.add.f32 [tilespmem:s21], [sflag:$0x5], $0x80, s8, s18, $0xb8;
	[tilespmem:$0x1EC00] =	vst v63  }
0x42: {  	_ =	swait.ge [sflag:s14], $0x4000  }
0x43: {  	[sflag:s14] =	ssyncset.done $0x0  }
0x44: {  	[sflag:s14] =	ssyncadd.s32 $0xFFFFC000  }
0x45: {  	[tilespmem:s21], [sflag:$0x4] =	stream.indirect.gather [hbm4b:s4+s18], $0x80, s25, s18, $0xb8;
	[tilespmem:$0x1EC00] =	vst v63  }
0x46: {  	_ =	swait.ge [sflag:s22], $0x4000  }
0x47: {  	[sflag:s22] =	ssyncset.done $0x0  }
0x48: {  	s9 =	sadd.s32 $0x14100, s5;
	[sflag:s22] =	ssyncadd.s32 $0xFFFFC000  }
0x49: {  	[spmem:s2] =	stream.indirect.scatter.add.f32 [tilespmem:s19], [sflag:$0x5], $0x80, s9, s18, $0xb8;
	[tilespmem:$0x1EC00] =	vst v63  }
0x4a: {  	_ =	swait.ge [sflag:s14], $0x4000  }
0x4b: {  	[sflag:s14] =	ssyncset.done $0x0  }
0x4c: {  	[sflag:s14] =	ssyncadd.s32 $0xFFFFC000  }
0x4d: {  	_ =	swait.ge [sflag:s26], $0x200  }
0x4e: {  	[sflag:s26] =	ssyncset.done $0x0  }
0x4f: {  	[sflag:s26] =	ssyncadd.s32 $0xFFFFFE00  }
0x50: {  	[tilespmem:s19], [sflag:$0x3] =	stream.indirect.gather [hbm4b:s4+s18], $0x80, s17, s18, $0xb8;
	[tilespmem:$0x1EC00] =	vst v63  }
0x51: {  	_ =	swait.ge [sflag:s24], $0x4000  }
0x52: {  	[sflag:s24] =	ssyncset.done $0x0  }
0x53: {  	s8 =	sadd.s32 $0x14180, s5;
	[sflag:s24] =	ssyncadd.s32 $0xFFFFC000  }
0x54: {  	[spmem:s2] =	stream.indirect.scatter.add.f32 [tilespmem:s21], [sflag:$0x5], $0x80, s8, s18, $0xb8;
	[tilespmem:$0x1EC00] =	vst v63  }
0x55: {  	p0 =	seq.s32 s0, $0x9000;
	_ =	swait.ge [sflag:s14], $0x4000  }
0x56: {  	s7 =	sadd.s32 @!p0 $0xFFFFFFC0, s12;
	[sflag:s14] =	ssyncset.done $0x0  }
0x57: {  	s9 =	simm.s32 @!p0 $0x16800;
	s8 =	simm.s32 @!p0 $0x0;
	[sflag:s14] =	ssyncadd.s32 $0xFFFFC000  }
0x58: {  	[tilespmem:s9], [sflag:$0x1] =	stream.linear.gather @!p0 [hbm4b:s7+s8], $0x200, $0x38;
	[tilespmem:$0x1EC00] =	vst v63  }
0x59: {  	_ = 	snop  }
0x5a: {  	[tilespmem:s21], [sflag:$0x4] =	stream.indirect.gather [hbm4b:s4+s18], $0x80, s28, s18, $0xb8;
	[tilespmem:$0x1EC00] =	vst v63  }
0x5b: {  	_ =	swait.ge [sflag:s22], $0x4000  }
0x5c: {  	[sflag:s22] =	ssyncset.done $0x0  }
0x5d: {  	s9 =	sadd.s32 $0x14200, s5;
	[sflag:s22] =	ssyncadd.s32 $0xFFFFC000  }
0x5e: {  	[spmem:s2] =	stream.indirect.scatter.add.f32 [tilespmem:s19], [sflag:$0x5], $0x80, s9, s18, $0xb8;
	[tilespmem:$0x1EC00] =	vst v63  }
0x5f: {  	_ =	swait.ge [sflag:s14], $0x4000  }
0x60: {  	[sflag:s14] =	ssyncset.done $0x0  }
0x61: {  	[sflag:s14] =	ssyncadd.s32 $0xFFFFC000  }
0x62: {  	[tilespmem:s19], [sflag:$0x3] =	stream.indirect.gather [hbm4b:s4+s18], $0x80, s29, s18, $0xb8;
	[tilespmem:$0x1EC00] =	vst v63  }
0x63: {  	_ =	swait.ge [sflag:s24], $0x4000  }
0x64: {  	[sflag:s24] =	ssyncset.done $0x0  }
0x65: {  	s8 =	sadd.s32 $0x14280, s5;
	[sflag:s24] =	ssyncadd.s32 $0xFFFFC000  }
0x66: {  	[spmem:s2] =	stream.indirect.scatter.add.f32 [tilespmem:s21], [sflag:$0x5], $0x80, s8, s18, $0xb8;
	[tilespmem:$0x1EC00] =	vst v63  }
0x67: {  	_ =	swait.ge [sflag:s14], $0x4000  }
0x68: {  	[sflag:s14] =	ssyncset.done $0x0  }
0x69: {  	[sflag:s14] =	ssyncadd.s32 $0xFFFFC000  }
0x6a: {  	[tilespmem:s21], [sflag:$0x4] =	stream.indirect.gather [hbm4b:s4+s18], $0x80, s30, s18, $0xb8;
	[tilespmem:$0x1EC00] =	vst v63  }
0x6b: {  	_ =	swait.ge [sflag:s22], $0x4000  }
0x6c: {  	[sflag:s22] =	ssyncset.done $0x0  }
.Ltmp2:
0x6d: {  	s9 =	sadd.s32 $0x14300, s5;
	[sflag:s22] =	ssyncadd.s32 $0xFFFFC000;
	(pc) =	sbr.rel @p0 .LBB2_4-.Ltmp2, $4  }
0x6e: {  	[spmem:s2] =	stream.indirect.scatter.add.f32 [tilespmem:s19], [sflag:$0x5], $0x80, s9, s18, $0xb8;
	[tilespmem:$0x1EC00] =	vst v63  }
0x6f: {  	_ =	swait.ge [sflag:s14], $0x4000  }
0x70: {  	[sflag:s14] =	ssyncset.done $0x0  }
0x71: {  	s5 =	sadd.s32 $0x14380, s5;
	[sflag:s14] =	ssyncadd.s32 $0xFFFFC000  }
0x72: {  	_ =	swait.ge [sflag:s31], $0x200  }
0x73: {  	[sflag:s31] =	ssyncset.done $0x0  }
0x74: {  	[sflag:s31] =	ssyncadd.s32 $0xFFFFFE00  }
0x75: {  	[tilespmem:s19], [sflag:$0x3] =	stream.indirect.gather [hbm4b:s4+s18], $0x80, s16, s18, $0xb8;
	[tilespmem:$0x1EC00] =	vst v63  }
0x76: {  	_ =	swait.ge [sflag:s24], $0x4000  }
0x77: {  	[sflag:s24] =	ssyncset.done $0x0  }
0x78: {  	[sflag:s24] =	ssyncadd.s32 $0xFFFFC000  }
0x79: {  	[spmem:s2] =	stream.indirect.scatter.add.f32 [tilespmem:s21], [sflag:$0x5], $0x80, s5, s18, $0xb8;
	[tilespmem:$0x1EC00] =	vst v63  }
.Ltmp3:
0x7a: {  	_ =	swait.ge [sflag:s14], $0x4000;
	(pc) =	sbr.rel .LBB2_2-.Ltmp3, $4  }
0x7b: {  	[sflag:s14] =	ssyncset.done $0x0  }
0x7c: {  	[sflag:s14] =	ssyncadd.s32 $0xFFFFC000  }
0x7d: {  	[tilespmem:s17], [sflag:$0x2] =	stream.linear.gather [hbm4b:s12+s3], $0x200, $0x38;
	[tilespmem:$0x1EC00] =	vst v63  }
0x7e: {  	s0 =	sadd.s32 $0x1000, s0;
	s12 =	sadd.s32 $0x80, s12  }
.LBB2_5:
0x7f: {  	_ =	sfence.sel $0x180000  }
0x80: {  	[bflag:$0x0] =	sbarrier.arrive $0xFFFF  }
0x81: {  	_ =	strace $0x9000004A  }
0x82: {  	s0 =	stileid.u32;
	[bflag:$0x2] =	sbarrier.arrive $0xFFFF  }
0x83: {  	p0 =	sne.s32 s0, $0x0;
	s0 =	rddreg [dreg:$0x2]  }
0x84: {  	s0 =	sadd.s32 @!p0 $0x100000, s0  }
0x85: {  	[sflag:s0] =	ssyncadd.tile.s32 @!p0 $0x1;
	_ =	shalt  }
.Lfunc_end2:
_tile_overlayer_lowered:
.L_overlay_start_2:
0x86: {  	(tag) =	ssettag $0x2  }
0x87: {  	s0 =	rddreg [dreg:$0x0];
	s2 =	stileid.u32  }
0x88: {  	s1 =	rddreg [dreg:$0x1];
	p0 =	sne.s32 s2, $0x0  }
0x89: {  	s3 =	rddreg [dreg:$0x2];
	[bflag:$0x3] =	sbarrier.arrive $0xFFFF;
	s2 =	simm.s32 @!p0 $0x1C05  }
0x8a: {  	[timem:s3], [sflag:s2] =	dma.local @!p0 [hbm:s0], s1  }
0x8b: {  	s0 =	simm.s32 @!p0 $0x5  }
0x8c: {  	_ =	swait.ge @!p0 [sflag:s0], s1  }
0x8d: {  	s1 =	ssub.s32 @!p0 $0x0, s1;
	[sflag:s0] =	ssyncset.done @!p0 $0x0  }
0x8e: {  	[sflag:s0] =	ssyncadd.s32 @!p0 s1  }
0x8f: {  	[bflag:$0x3] =	sbarrier.arrive $0xFFFF  }
0x90: {  	_ =	shalt  }

// kernel: kernel.7.cloned.1.call-start
scs
__scs_entry_jumppad:
0x0: {  	(pc) =	sbr.rel $0x88, $3  }
0x1: {  	(tag) =	ssettag $0x0;
	lr =	simm.s32 $0x1  }
0x2: {  	[smem:$0x3F96] =	sst lr;
	_ =	strace $0xD0000000  }
0x3: {  	_ = 	snop  }
0x4: {  	_ = 	snop  }
0x5: {  	_ = 	snop  }
0x6: {  	_ = 	snop  }
0x7: {  	_ = 	snop  }
__scs_overlays_trampoline_lowered:
0x8: {  	[smem:$0x3FA5] =	sst s0  }
0x9: {  	[smem:$0x3FA6] =	sst s1  }
0xa: {  	[smem:$0x3FA7] =	sst s2  }
0xb: {  	[smem:$0x3FA8] =	sst s3  }
0xc: {  	[smem:$0x3FA9] =	sst s4  }
0xd: {  	[smem:$0x3FAA] =	sst s5  }
0xe: {  	[smem:$0x3FAB] =	sst s6  }
0xf: {  	[smem:$0x3FAC] =	sst s7  }
0x10: {  	[smem:$0x3FAD] =	sst s8  }
0x11: {  	[smem:$0x3FAE] =	sst s9;
	s0 =	simm.s32 @!p0 $0x0  }
0x12: {  	s1 =	sld [smem:$0x3F94];
	s0 =	simm.s32 @p0 $0x1  }
0x13: {  	[smem:$0x3FAF] =	sst s0;
	s0 =	simm.s32 @!p1 $0x0  }
0x14: {  	s2 =	sld [smem:$0x3F93];
	s0 =	simm.s32 @p1 $0x1  }
0x15: {  	[smem:$0x3FB0] =	sst s0;
	s0 =	simm.s32 @!p2 $0x0  }
0x16: {  	s3 =	sld [smem:$0x3FDB];
	s0 =	simm.s32 @p2 $0x1  }
0x17: {  	s4 =	simm.s32 $0x1BF5;
	[smem:$0x3FB2] =	sst s0  }
0x18: {  	s0 =	sld [smem:$0x3F95];
	_ =	swait.ge [sflag:s4], $0x0  }
0x19: {  	s7 =	sld [smem:$0x3F96]  }
0x1a: {  	s8 =	sadd.s32 $0xFFFFE003, lr  }
0x1b: {  	s9 =	sadd.s32 $0xFFFFFEF7, lr;
	s5 =	simm.s32 $0xFFFFFFFF;
	p2 =	slt.u32 s8, $0xFFFFF086  }
0x1c: {  	p1 =	slt.u32 s9, $0xF7A;
	s5 =	simm.s32 @!p2 $0x0  }
0x1d: {  	s5 =	simm.s32 @p1 $0x1;
	p0 =	seq.s32 s7, s2  }
0x1e: {  	s7 =	smul.u32 @!p0 $0xF7A, s2;
	p2 =	seq.s32 @!p0 s5, $0x0  }
0x1f: {  	s9 =	smul.u32 $0xF7A, s1;
	s8 =	simm.s32 @!p0 $0x1BF5;
	p2 =	por !p2, p0  }
0x20: {  	[sflag:s8] =	ssyncset.s32 @!p0 $0xFFFFF086;
	s6 =	sadd.s32 @!p0 s3, s7;
	s7 =	simm.s32 @!p0 $0x108  }
0x21: {  	s3 =	sadd.s32 s3, s9;
	s6 =	sadd.s32 @!p0 $0x88, s6;
	s7 =	simm.s32 @p2 $0x1082  }
0x22: {  	[simem:s7], [sflag:s8] =	dma.local @!p0 [hbm:s6], $0xF7A  }
0x23: {  	s9 =	sor.u32 $0xD0000000, s2;
	s6 =	simm.s32 $0x108;
	_ =	swait.ge @!p0 [sflag:s8], $0x0  }
0x24: {  	s3 =	sadd.s32 $0x88, s3;
	s6 =	simm.s32 @!p1 $0x1082;
	[sflag:s4] =	ssyncset.s32 $0xFFFFF086  }
0x25: {  	[simem:s6], [sflag:s4] =	dma.local [hbm:s3], $0xF7A  }
0x26: {  	[smem:$0x3F96] =	sst s1;
	(tag) =	ssettag s2;
	_ =	strace s9  }
0x27: {  	s1 =	sld [smem:$0x3FA6]  }
0x28: {  	s2 =	sld [smem:$0x3FA7]  }
0x29: {  	s4 =	sld [smem:$0x3FA9]  }
0x2a: {  	p0 =	seq.s32 s5, $0x0;
	s5 =	sld [smem:$0x3FAA]  }
0x2b: {  	s6 =	sld [smem:$0x3FAB]  }
0x2c: {  	s7 =	sld [smem:$0x3FAC]  }
0x2d: {  	s3 =	simm.s32 $0x108;
	s8 =	sld [smem:$0x3FAD]  }
0x2e: {  	s3 =	simm.s32 @!p0 $0x1082;
	s9 =	sld [smem:$0x3FAE]  }
0x2f: {  	lr =	sadd.s32 s0, s3;
	s0 =	sld [smem:$0x3FA5]  }
0x30: {  	s3 =	sld [smem:$0x3FA8]  }
0x31: {  	[smem:$0x3FB1] =	sst s10  }
0x32: {  	s10 =	sld [smem:$0x3FAF];
	_ =	sdelay $0x3  }
0x33: {  	p0 =	seq.s32 s10, $0x1;
	s10 =	sld [smem:$0x3FB1];
	_ =	sdelay $0x3  }
0x34: {  	[smem:$0x3FB1] =	sst s10  }
0x35: {  	s10 =	sld [smem:$0x3FB0];
	_ =	sdelay $0x3  }
0x36: {  	p1 =	seq.s32 s10, $0x1;
	s10 =	sld [smem:$0x3FB1];
	_ =	sdelay $0x3  }
0x37: {  	[smem:$0x3FB1] =	sst s10  }
0x38: {  	s10 =	sld [smem:$0x3FB2]  }
0x39: {  	_ = 	snop;
	(pc) =	sbr.ind lr, $3  }
0x3a: {  	_ = 	snop  }
0x3b: {  	_ = 	snop  }
0x3c: {  	p2 =	seq.s32 s10, $0x1;
	s10 =	sld [smem:$0x3FB1]  }
0x3d: {  	_ =	shalt  }
0x3e: {  	_ =	shalt  }
0x3f: {  	_ =	shalt  }
0x40: {  	_ =	shalt  }
0x41: {  	_ =	shalt  }
0x42: {  	_ =	shalt  }
0x43: {  	_ =	shalt  }
0x44: {  	_ =	shalt  }
0x45: {  	_ =	shalt  }
0x46: {  	_ =	shalt  }
0x47: {  	_ =	shalt  }
0x48: {  	_ =	shalt  }
0x49: {  	_ =	shalt  }
0x4a: {  	_ =	shalt  }
0x4b: {  	_ =	shalt  }
0x4c: {  	_ =	shalt  }
0x4d: {  	_ =	shalt  }
0x4e: {  	_ =	shalt  }
0x4f: {  	_ =	shalt  }
0x50: {  	_ =	shalt  }
0x51: {  	_ =	shalt  }
0x52: {  	_ =	shalt  }
0x53: {  	_ =	shalt  }
0x54: {  	_ =	shalt  }
0x55: {  	_ =	shalt  }
0x56: {  	_ =	shalt  }
0x57: {  	_ =	shalt  }
0x58: {  	_ =	shalt  }
0x59: {  	_ =	shalt  }
0x5a: {  	_ =	shalt  }
0x5b: {  	_ =	shalt  }
0x5c: {  	_ =	shalt  }
0x5d: {  	_ =	shalt  }
0x5e: {  	_ =	shalt  }
0x5f: {  	_ =	shalt  }
0x60: {  	_ =	shalt  }
0x61: {  	_ =	shalt  }
0x62: {  	_ =	shalt  }
0x63: {  	_ =	shalt  }
0x64: {  	_ =	shalt  }
0x65: {  	_ =	shalt  }
0x66: {  	_ =	shalt  }
0x67: {  	_ =	shalt  }
0x68: {  	_ =	shalt  }
0x69: {  	_ =	shalt  }
0x6a: {  	_ =	shalt  }
0x6b: {  	_ =	shalt  }
0x6c: {  	_ =	shalt  }
0x6d: {  	_ =	shalt  }
0x6e: {  	_ =	shalt  }
0x6f: {  	_ =	shalt  }
0x70: {  	_ =	shalt  }
0x71: {  	_ =	shalt  }
0x72: {  	_ =	shalt  }
0x73: {  	_ =	shalt  }
0x74: {  	_ =	shalt  }
0x75: {  	_ =	shalt  }
0x76: {  	_ =	shalt  }
0x77: {  	_ =	shalt  }
0x78: {  	_ =	shalt  }
0x79: {  	_ =	shalt  }
0x7a: {  	_ =	shalt  }
0x7b: {  	_ =	shalt  }
0x7c: {  	_ =	shalt  }
0x7d: {  	_ =	shalt  }
0x7e: {  	_ =	shalt  }
0x7f: {  	_ =	shalt  }
0x80: {  	_ =	shalt  }
0x81: {  	_ =	shalt  }
0x82: {  	_ =	shalt  }
0x83: {  	_ =	shalt  }
0x84: {  	_ =	shalt  }
0x85: {  	_ =	shalt  }
0x86: {  	_ =	shalt  }
0x87: {  	_ =	shalt  }
.Lfunc_end0:
.L_simem_size_0:
called_computation_lowered:
.L_overlay_start_0:
0x88: {  	s2 =	sld [smem:$0x3FD9]  }
0x89: {  	s3 =	sld [smem:$0x3FFE];
	_ =	sdelay $0x1  }
0x8a: {  	s1 =	srdreg.scid  }
0x8b: {  	s0 =	sand.u32 $0x1, s1  }
0x8c: {  	s16 =	sshll.u32 s0, $0xA;
	s2 =	sadd.s32 s3, s2  }
0x8d: {  	s2 =	sadd.s32 s2, s16  }
0x8e: {  	[smem:$0x3FBD] =	sst s2  }
0x8f: {  	_ = 	snop  }
0x90: {  	(tm) =	ssettm $0x1  }
0x91: {  	s17 =	sld [smem:$0x3FFB];
	_ =	sdelay $0x3  }
0x92: {  	_ =	strace s17  }
0x93: {  	s2 =	sld [smem:$0x3FFC];
	_ =	sdelay $0x3  }
0x94: {  	_ =	strace s2  }
0x95: {  	s2 =	sld [smem:$0x3FFD];
	_ =	sdelay $0x3  }
0x96: {  	_ =	strace s2  }
0x97: {  	_ =	strace $0x8FFFFFFF  }
0x98: {  	s18 =	sld [smem:$0x3FDB];
	_ =	sdelay $0x1  }
0x99: {  	s19 =	simm.s32 $_scs_section_size  }
0x9a: {  	s4 =	simm.s32 $_size__tile_overlayer_lowered;
	s5 =	simm.s32 $_tile_overlayer_lowered  }
0x9b: {  	s22 =	simm.s32 $0x1BFF;
	s21 =	sshll.u32 s5, $0x1;
	s2 =	sadd.s32 s19, s18  }
0x9c: {  	s6 =	simm.s32 $0x0;
	s20 =	sshll.u32 s4, $0x1;
	s4 =	sadd.s32 s21, s2  }
0x9d: {  	[timem:s6], [sflag:s22] =	dma.local [hbm:s4], s20  }
0x9e: {  	_ =	swait.ge [sflag:s22], s20  }
0x9f: {  	s3 =	ssub.s32 $0x0, s20;
	[sflag:s22] =	ssyncset.done $0x0  }
0xa0: {  	[sflag:s22] =	ssyncadd.s32 s3;
	_ =	sdelay $0x1  }
0xa1: {  	s23 =	simm.s32 $0x1B8B  }
0xa2: {  	_ =	swait.ge [sflag:s23], $0x1  }
0xa3: {  	[sflag:s23] =	ssyncset.done $0x0  }
0xa4: {  	s25 =	simm.s32 $0x1B8E;
	s24 =	sld [smem:$0x3FFE];
	[sflag:s23] =	ssyncadd.s32 $0xFFFFFFFF  }
0xa5: {  	s26 =	simm.s32 $execute0_lowered;
	[smem:$0x3FD2] =	sst s25  }
0xa6: {  	s4 =	sshll.u32 s26, $0x1;
	_ =	strace $0x80000046;
	[dreg:$0x1] =	wrdreg $0xFFFFFFFF  }
0xa7: {  	s28 =	simm.s32 $_size_execute0_lowered;
	s2 =	sadd.s32 s2, s4;
	[dreg:$0x0] =	wrdreg $0x0  }
0xa8: {  	s4 =	sshll.u32 s28, $0x1;
	[dreg:$0x2] =	wrdreg s2  }
0xa9: {  	[dreg:$0x3] =	wrdreg s4  }
0xaa: {  	[dreg:$0x4] =	wrdreg $0xC0  }
0xab: {  	_ =	task [dreg:s6], $0x5FFFF  }
0xac: {  	[dreg:$0x1] =	wrdreg $0xFFFFFFFF  }
0xad: {  	[dreg:$0x0] =	wrdreg $0x60  }
0xae: {  	[dreg:$0x2] =	wrdreg s24  }
0xaf: {  	[dreg:$0x3] =	wrdreg $0x0  }
0xb0: {  	[dreg:$0x4] =	wrdreg $0x9  }
0xb1: {  	_ =	task.clear_ibuf [dreg:s6], $0x5FFFF;
	_ =	strace $0x90000046  }
0xb2: {  	s29 =	simm.s32 $0x9;
	_ =	strace $0x80000048  }
0xb3: {  	_ =	swait.ge [sflag:s29], $0x1  }
0xb4: {  	[sflag:s29] =	ssyncadd.s32 $0xFFFFFFFF  }
0xb5: {  	_ =	strace $0x90000048  }
0xb6: {  	_ =	sfence  }
0xb7: {  	s30 =	sld [smem:$0x0];
	_ =	sdelay $0x2  }
0xb8: {  	s31 =	sshll.u32 s1, $0xD;
	s1 =	sshrl.u32 s1, $0x2  }
0xb9: {  	s3 =	sand.u32 $0x4000, s31;
	s1 =	sadd.s32 s1, s30  }
0xba: {  	s0 =	sor.u32 s3, s0;
	s1 =	sshll.u32 s1, $0x11  }
0xbb: {  	s0 =	sor.u32 s1, s0  }
0xbc: {  	s0 =	sadd.s32 $0x8F2B, s0  }
0xbd: {  	[sflag:s0] =	ssyncadd.remote.s32 $0x1  }
0xbe: {  	_ =	sfence.sel $0xFFFF  }
0xbf: {  	[dreg:$0x0] =	wrdreg $0xFFFFFFFF;
	(pc) =	sbr.abs _section_cstart, $3  }
0xc0: {  	[dreg:$0x1] =	wrdreg $0xFFFFFFFF  }
0xc1: {  	_ =	task.clear_ibuf [dreg:s6], $0x2FFFF;
	_ =	strace $0x9FFFFFFF  }
0xc2: {  	(tm) =	ssettm $0x7FFFFFFF  }
0xc3: {  	_ =	shalt  }
tec
execute0_lowered:
.L_overlay_start_1:
0x0: {  	(tag) =	ssettag $0x1  }
0x1: {  	s0 =	srdreg.scid  }
0x2: {  	s13 =	stileid.u32;
	s5 =	rddreg [dreg:$0x0]  }
0x3: {  	s2 =	rddreg [dreg:$0x1];
	s3 =	simm.s32 $0x0;
	s14 =	simm.s32 $0x5  }
0x4: {  	s16 =	simm.s32 $0x16800;
	s17 =	simm.s32 $0x16A00;
	s18 =	simm.s32 $0x80  }
0x5: {  	s19 =	simm.s32 $0x16C00;
	s20 =	simm.s32 $0x16880;
	s28 =	simm.s32 $0x16A80  }
0x6: {  	s29 =	simm.s32 $0x16B00;
	s30 =	simm.s32 $0x16B80;
	s31 =	simm.s32 $0x1  }
0x7: {  	s0 =	sand.u32 $0x1, s0;
	s1 =	sshll.u32 s13, $0x1;
	s7 =	smul.u32 $0x14000, s13  }
0x8: {  	[smem:$0x7FF] =	sst s3;
	s4 =	sadd.s32 $0x17800, s5;
	s22 =	smul.u32 $0x50000, s13  }
0x9: {  	s21 =	sadd.s32 $0x67800, s5;
	s9 =	smul.u32 $0x5000, s13;
	s24 =	sshll.u32 s13, $0x6  }
0xa: {  	s1 =	sor.u32 s0, s1;
	s6 =	smul.u32 $0x140000, s0;
	_ =	strace $0x80000047  }
0xb: {  	[dreg:$0x3] =	wrdreg s21;
	s23 =	ssub.s32 $0x2, s0;
	s0 =	smul.u32 $0x2800, s0  }
0xc: {  	s21 =	simm.s32 $0x1AC00;
	s1 =	smul.u32 $0x2800, s1;
	s11 =	sshrl.u32 s23, $0x1  }
0xd: {  	s6 =	sadd.s32 s7, s6;
	s7 =	sshrl.u32 s22, $0x2;
	s11 =	ssub.s32 s23, s11  }
0xe: {  	s0 =	sadd.s32 s0, s9;
	s22 =	simm.s32 $0x3;
	s23 =	simm.s32 $0x16900  }
0xf: {  	s1 =	sshrl.u32 s1, $0x3;
	s6 =	sshrl.u32 s6, $0x3;
	s12 =	sadd.s32 s7, s2  }
0x10: {  	s0 =	sor.u32 $0x400, s0;
	s11 =	smax.u32 s11, $0x1;
	s8 =	sadd.s32 s1, s5  }
0x11: {  	s10 =	sadd.s32 s6, s5;
	s6 =	sor.u32 $0x1C05, s24;
	s5 =	sadd.s32 $0x3840, s5  }
.Ltmp0:
0x12: {  	s0 =	sshrl.u32 s0, $0x3;
	s25 =	sadd.s32 $0xD800, s8;
	(pc) =	sbr.rel .LBB2_1-.Ltmp0, $4  }
0x13: {  	s13 =	sshrl.u32 s12, $0x3;
	s26 =	sadd.s32 $0x3800, s8;
	[dreg:$0x4] =	wrdreg s25  }
0x14: {  	s24 =	simm.s32 $0x4;
	s1 =	sadd.s32 s1, s5;
	[dreg:$0x5] =	wrdreg s26  }
0x15: {  	s10 =	sadd.s32 $0x6A000, s10;
	s15 =	sadd.s32 s0, s5;
	[dreg:$0x6] =	wrdreg s1  }
0x16: {  	s25 =	simm.s32 $0x16980;
	s26 =	simm.s32 $0x2;
	s1 =	simm.s32 $0x0  }
.LBB2_4:
0x17: {  	_ =	swait.ge [sflag:s24], $0x4000  }
0x18: {  	[sflag:s24] =	ssyncset.done $0x0  }
0x19: {  	[sflag:s24] =	ssyncadd.s32 $0xFFFFC000  }
0x1a: {  	[spmem:s2] =	stream.indirect.scatter.add.f32 [tilespmem:s21], [sflag:$0x5], $0x80, s5, s18, $0xb8;
	[tilespmem:$0x1EC00] =	vst v63  }
0x1b: {  	_ =	swait.ge [sflag:s14], $0x4000  }
0x1c: {  	s1 =	sadd.s32 $0x1, s1;
	[sflag:s14] =	ssyncset.done $0x0  }
0x1d: {  	p0 =	sne.s32 s1, s11;
	[sflag:s14] =	ssyncadd.s32 $0xFFFFC000  }
.Ltmp1:
0x1e: {  	[bflag:$0x0] =	sbarrier.arrive $0xFFFF;
	(pc) =	sbr.rel @!p0 .LBB2_5-.Ltmp1, $4  }
0x1f: {  	[hbm:s10], [sflag:s6] =	dma.local [spmem:s13], $0x2800  }
0x20: {  	_ =	swait.ge [sflag:s14], $0x2800  }
0x21: {  	[sflag:s14] =	ssyncset.done $0x0  }
0x22: {  	[sflag:s14] =	ssyncadd.s32 $0xFFFFD800  }
.LBB2_1:
0x23: {  	s0 =	rddreg [dreg:$0x3]  }
0x24: {  	[spmem:s13], [sflag:s6] =	dma.local [hbm:s0], $0x2800  }
0x25: {  	_ =	swait.ge [sflag:s14], $0x2800  }
0x26: {  	[sflag:s14] =	ssyncset.done $0x0  }
0x27: {  	s5 =	simm.s32 $0x14000;
	s8 =	rddreg [dreg:$0x4];
	[sflag:s14] =	ssyncadd.s32 $0xFFFFD800  }
0x28: {  	[tilespmem:s5], [sflag:$0x5] =	stream.linear.gather [hbm4b:s8+s3], $0x2800, $0x38;
	[tilespmem:$0x1EC00] =	vst v63  }
0x29: {  	_ =	swait.ge [sflag:s14], $0x2800  }
0x2a: {  	[sflag:s14] =	ssyncset.done $0x0  }
0x2b: {  	s9 =	rddreg [dreg:$0x5];
	[sflag:s14] =	ssyncadd.s32 $0xFFFFD800  }
0x2c: {  	[tilespmem:s16], [sflag:$0x5] =	stream.linear.gather [hbm4b:s9+s3], $0x200, $0x38;
	[tilespmem:$0x1EC00] =	vst v63  }
0x2d: {  	_ =	swait.ge [sflag:s14], $0x200  }
0x2e: {  	[sflag:s14] =	ssyncset.done $0x0  }
0x2f: {  	[sflag:s14] =	ssyncadd.s32 $0xFFFFFE00  }
0x30: {  	[bflag:$0x0] =	sbarrier.arrive $0xFFFF  }
0x31: {  	s12 =	rddreg [dreg:$0x6]  }
0x32: {  	[tilespmem:s17], [sflag:$0x2] =	stream.linear.gather [hbm4b:s12+s3], $0x200, $0x38;
	[tilespmem:$0x1EC00] =	vst v63  }
0x33: {  	s0 =	simm.s32 $0x0;
	s12 =	smov.u32 s15  }
0x34: {  	[tilespmem:s19], [sflag:$0x3] =	stream.indirect.gather [hbm4b:s4+s18], $0x80, s16, s18, $0xb8;
	[tilespmem:$0x1EC00] =	vst v63  }
.LBB2_2:
0x35: {  	[tilespmem:s21], [sflag:$0x4] =	stream.indirect.gather [hbm4b:s4+s18], $0x80, s20, s18, $0xb8;
	[tilespmem:$0x1EC00] =	vst v63  }
0x36: {  	_ =	swait.ge [sflag:s22], $0x4000  }
0x37: {  	s5 =	sshra.s32 s0, $0x2;
	[sflag:s22] =	ssyncset.done $0x0  }
0x38: {  	s7 =	sadd.s32 $0x14000, s5;
	[sflag:s22] =	ssyncadd.s32 $0xFFFFC000  }
0x39: {  	[spmem:s2] =	stream.indirect.scatter.add.f32 [tilespmem:s19], [sflag:$0x5], $0x80, s7, s18, $0xb8;
	[tilespmem:$0x1EC00] =	vst v63  }
0x3a: {  	_ =	swait.ge [sflag:s14], $0x4000  }
0x3b: {  	[sflag:s14] =	ssyncset.done $0x0  }
0x3c: {  	[sflag:s14] =	ssyncadd.s32 $0xFFFFC000  }
0x3d: {  	[tilespmem:s19], [sflag:$0x3] =	stream.indirect.gather [hbm4b:s4+s18], $0x80, s23, s18, $0xb8;
	[tilespmem:$0x1EC00] =	vst v63  }
0x3e: {  	_ =	swait.ge [sflag:s24], $0x4000  }
0x3f: {  	[sflag:s24] =	ssyncset.done $0x0  }
0x40: {  	s8 =	sadd.s32 $0x14080, s5;
	[sflag:s24] =	ssyncadd.s32 $0xFFFFC000  }
0x41: {  	[spmem:s2] =	stream.indirect.scatter.add.f32 [tilespmem:s21], [sflag:$0x5], $0x80, s8, s18, $0xb8;
	[tilespmem:$0x1EC00] =	vst v63  }
0x42: {  	_ =	swait.ge [sflag:s14], $0x4000  }
0x43: {  	[sflag:s14] =	ssyncset.done $0x0  }
0x44: {  	[sflag:s14] =	ssyncadd.s32 $0xFFFFC000  }
0x45: {  	[tilespmem:s21], [sflag:$0x4] =	stream.indirect.gather [hbm4b:s4+s18], $0x80, s25, s18, $0xb8;
	[tilespmem:$0x1EC00] =	vst v63  }
0x46: {  	_ =	swait.ge [sflag:s22], $0x4000  }
0x47: {  	[sflag:s22] =	ssyncset.done $0x0  }
0x48: {  	s9 =	sadd.s32 $0x14100, s5;
	[sflag:s22] =	ssyncadd.s32 $0xFFFFC000  }
0x49: {  	[spmem:s2] =	stream.indirect.scatter.add.f32 [tilespmem:s19], [sflag:$0x5], $0x80, s9, s18, $0xb8;
	[tilespmem:$0x1EC00] =	vst v63  }
0x4a: {  	_ =	swait.ge [sflag:s14], $0x4000  }
0x4b: {  	[sflag:s14] =	ssyncset.done $0x0  }
0x4c: {  	[sflag:s14] =	ssyncadd.s32 $0xFFFFC000  }
0x4d: {  	_ =	swait.ge [sflag:s26], $0x200  }
0x4e: {  	[sflag:s26] =	ssyncset.done $0x0  }
0x4f: {  	[sflag:s26] =	ssyncadd.s32 $0xFFFFFE00  }
0x50: {  	[tilespmem:s19], [sflag:$0x3] =	stream.indirect.gather [hbm4b:s4+s18], $0x80, s17, s18, $0xb8;
	[tilespmem:$0x1EC00] =	vst v63  }
0x51: {  	_ =	swait.ge [sflag:s24], $0x4000  }
0x52: {  	[sflag:s24] =	ssyncset.done $0x0  }
0x53: {  	s8 =	sadd.s32 $0x14180, s5;
	[sflag:s24] =	ssyncadd.s32 $0xFFFFC000  }
0x54: {  	[spmem:s2] =	stream.indirect.scatter.add.f32 [tilespmem:s21], [sflag:$0x5], $0x80, s8, s18, $0xb8;
	[tilespmem:$0x1EC00] =	vst v63  }
0x55: {  	p0 =	seq.s32 s0, $0x9000;
	_ =	swait.ge [sflag:s14], $0x4000  }
0x56: {  	s7 =	sadd.s32 @!p0 $0xFFFFFFC0, s12;
	[sflag:s14] =	ssyncset.done $0x0  }
0x57: {  	s9 =	simm.s32 @!p0 $0x16800;
	s8 =	simm.s32 @!p0 $0x0;
	[sflag:s14] =	ssyncadd.s32 $0xFFFFC000  }
0x58: {  	[tilespmem:s9], [sflag:$0x1] =	stream.linear.gather @!p0 [hbm4b:s7+s8], $0x200, $0x38;
	[tilespmem:$0x1EC00] =	vst v63  }
0x59: {  	_ = 	snop  }
0x5a: {  	[tilespmem:s21], [sflag:$0x4] =	stream.indirect.gather [hbm4b:s4+s18], $0x80, s28, s18, $0xb8;
	[tilespmem:$0x1EC00] =	vst v63  }
0x5b: {  	_ =	swait.ge [sflag:s22], $0x4000  }
0x5c: {  	[sflag:s22] =	ssyncset.done $0x0  }
0x5d: {  	s9 =	sadd.s32 $0x14200, s5;
	[sflag:s22] =	ssyncadd.s32 $0xFFFFC000  }
0x5e: {  	[spmem:s2] =	stream.indirect.scatter.add.f32 [tilespmem:s19], [sflag:$0x5], $0x80, s9, s18, $0xb8;
	[tilespmem:$0x1EC00] =	vst v63  }
0x5f: {  	_ =	swait.ge [sflag:s14], $0x4000  }
0x60: {  	[sflag:s14] =	ssyncset.done $0x0  }
0x61: {  	[sflag:s14] =	ssyncadd.s32 $0xFFFFC000  }
0x62: {  	[tilespmem:s19], [sflag:$0x3] =	stream.indirect.gather [hbm4b:s4+s18], $0x80, s29, s18, $0xb8;
	[tilespmem:$0x1EC00] =	vst v63  }
0x63: {  	_ =	swait.ge [sflag:s24], $0x4000  }
0x64: {  	[sflag:s24] =	ssyncset.done $0x0  }
0x65: {  	s8 =	sadd.s32 $0x14280, s5;
	[sflag:s24] =	ssyncadd.s32 $0xFFFFC000  }
0x66: {  	[spmem:s2] =	stream.indirect.scatter.add.f32 [tilespmem:s21], [sflag:$0x5], $0x80, s8, s18, $0xb8;
	[tilespmem:$0x1EC00] =	vst v63  }
0x67: {  	_ =	swait.ge [sflag:s14], $0x4000  }
0x68: {  	[sflag:s14] =	ssyncset.done $0x0  }
0x69: {  	[sflag:s14] =	ssyncadd.s32 $0xFFFFC000  }
0x6a: {  	[tilespmem:s21], [sflag:$0x4] =	stream.indirect.gather [hbm4b:s4+s18], $0x80, s30, s18, $0xb8;
	[tilespmem:$0x1EC00] =	vst v63  }
0x6b: {  	_ =	swait.ge [sflag:s22], $0x4000  }
0x6c: {  	[sflag:s22] =	ssyncset.done $0x0  }
.Ltmp2:
0x6d: {  	s9 =	sadd.s32 $0x14300, s5;
	[sflag:s22] =	ssyncadd.s32 $0xFFFFC000;
	(pc) =	sbr.rel @p0 .LBB2_4-.Ltmp2, $4  }
0x6e: {  	[spmem:s2] =	stream.indirect.scatter.add.f32 [tilespmem:s19], [sflag:$0x5], $0x80, s9, s18, $0xb8;
	[tilespmem:$0x1EC00] =	vst v63  }
0x6f: {  	_ =	swait.ge [sflag:s14], $0x4000  }
0x70: {  	[sflag:s14] =	ssyncset.done $0x0  }
0x71: {  	s5 =	sadd.s32 $0x14380, s5;
	[sflag:s14] =	ssyncadd.s32 $0xFFFFC000  }
0x72: {  	_ =	swait.ge [sflag:s31], $0x200  }
0x73: {  	[sflag:s31] =	ssyncset.done $0x0  }
0x74: {  	[sflag:s31] =	ssyncadd.s32 $0xFFFFFE00  }
0x75: {  	[tilespmem:s19], [sflag:$0x3] =	stream.indirect.gather [hbm4b:s4+s18], $0x80, s16, s18, $0xb8;
	[tilespmem:$0x1EC00] =	vst v63  }
0x76: {  	_ =	swait.ge [sflag:s24], $0x4000  }
0x77: {  	[sflag:s24] =	ssyncset.done $0x0  }
0x78: {  	[sflag:s24] =	ssyncadd.s32 $0xFFFFC000  }
0x79: {  	[spmem:s2] =	stream.indirect.scatter.add.f32 [tilespmem:s21], [sflag:$0x5], $0x80, s5, s18, $0xb8;
	[tilespmem:$0x1EC00] =	vst v63  }
.Ltmp3:
0x7a: {  	_ =	swait.ge [sflag:s14], $0x4000;
	(pc) =	sbr.rel .LBB2_2-.Ltmp3, $4  }
0x7b: {  	[sflag:s14] =	ssyncset.done $0x0  }
0x7c: {  	[sflag:s14] =	ssyncadd.s32 $0xFFFFC000  }
0x7d: {  	[tilespmem:s17], [sflag:$0x2] =	stream.linear.gather [hbm4b:s12+s3], $0x200, $0x38;
	[tilespmem:$0x1EC00] =	vst v63  }
0x7e: {  	s0 =	sadd.s32 $0x1000, s0;
	s12 =	sadd.s32 $0x80, s12  }
.LBB2_5:
0x7f: {  	_ =	sfence.sel $0x180000  }
0x80: {  	[bflag:$0x0] =	sbarrier.arrive $0xFFFF  }
0x81: {  	_ =	strace $0x90000047  }
0x82: {  	s0 =	stileid.u32;
	[bflag:$0x2] =	sbarrier.arrive $0xFFFF  }
0x83: {  	p0 =	sne.s32 s0, $0x0;
	s0 =	rddreg [dreg:$0x2]  }
0x84: {  	s0 =	sadd.s32 @!p0 $0x100000, s0  }
0x85: {  	[sflag:s0] =	ssyncadd.tile.s32 @!p0 $0x1;
	_ =	shalt  }
.Lfunc_end2:
_tile_overlayer_lowered:
.L_overlay_start_2:
0x86: {  	(tag) =	ssettag $0x2  }
0x87: {  	s0 =	rddreg [dreg:$0x0];
	s2 =	stileid.u32  }
0x88: {  	s1 =	rddreg [dreg:$0x1];
	p0 =	sne.s32 s2, $0x0  }
0x89: {  	s3 =	rddreg [dreg:$0x2];
	[bflag:$0x3] =	sbarrier.arrive $0xFFFF;
	s2 =	simm.s32 @!p0 $0x1C05  }
0x8a: {  	[timem:s3], [sflag:s2] =	dma.local @!p0 [hbm:s0], s1  }
0x8b: {  	s0 =	simm.s32 @!p0 $0x5  }
0x8c: {  	_ =	swait.ge @!p0 [sflag:s0], s1  }
0x8d: {  	s1 =	ssub.s32 @!p0 $0x0, s1;
	[sflag:s0] =	ssyncset.done @!p0 $0x0  }
0x8e: {  	[sflag:s0] =	ssyncadd.s32 @!p0 s1  }
0x8f: {  	[bflag:$0x3] =	sbarrier.arrive $0xFFFF  }
0x90: {  	_ =	shalt  }

</sc_bundles>
